<compile_context>
chip_gen: v7x
topology: tpu7x:2x2x1
jax: 0.10.2.dev20260603
libtpu: 0.0.44.dev20260713+nightly
codegen_flags: <defaults>
</compile_context>

<pallas_src>
import functools

import jax
import jax.numpy as jnp
from jax import lax
from jax.experimental import pallas as pl
from jax.experimental.pallas import tpu as pltpu
from jax.experimental.pallas import tpu_sc as plsc

T = 2048
D = 768
FF = 1024
E = 16
TB = 256
G = T // TB + E
P = G * TB
CH = 256
NW = 32
CHK = T // NW


def _router_body(x_ref, gw_ref, gb_ref, pos_ref, eb_ref, na_ref,
                 oh_ref, cs_ref):
    x = x_ref[...]
    scores = jnp.dot(x, gw_ref[...],
                     preferred_element_type=jnp.float32) + gb_ref[...]
    e_iota = lax.broadcasted_iota(jnp.int32, (T, E), 1)
    m = jnp.max(scores, axis=1, keepdims=True)
    eid = jnp.min(jnp.where(scores >= m, e_iota, E), axis=1, keepdims=True)
    oh_ref[...] = (e_iota == eid).astype(jnp.float32)

    tri = (lax.broadcasted_iota(jnp.int32, (CH, CH), 0) >=
           lax.broadcasted_iota(jnp.int32, (CH, CH), 1)).astype(jnp.float32)

    def body(i, carry):
        blk = oh_ref[pl.ds(i * CH, CH), :]
        cs = jnp.dot(tri, blk, preferred_element_type=jnp.float32) + carry
        cs_ref[pl.ds(i * CH, CH), :] = cs
        return cs[CH - 1:CH, :]

    counts = lax.fori_loop(0, T // CH, body,
                           jnp.zeros((1, E), jnp.float32))

    nb = jnp.floor((counts + (TB - 1)) / TB)
    lt = (lax.broadcasted_iota(jnp.int32, (E, E), 0) <
          lax.broadcasted_iota(jnp.int32, (E, E), 1)).astype(jnp.float32)
    bs = jnp.dot(nb, lt, preferred_element_type=jnp.float32)
    na = (bs[:, E - 1:] + nb[:, E - 1:]).astype(jnp.int32)
    na_ref[...] = na

    onehot = oh_ref[...]
    csum = cs_ref[...]
    rank = jnp.sum(onehot * (csum - 1.0), axis=1, keepdims=True)
    poff = jnp.sum(onehot * (bs * TB), axis=1, keepdims=True)
    pos_ref[...] = (rank + poff).astype(jnp.int32).reshape(T // 128, 128)

    g_iota = lax.broadcasted_iota(jnp.int32, (G, 1), 0)
    g_eff = jnp.minimum(g_iota, na - 1)
    bs_i = bs.astype(jnp.int32)
    eb_ref[...] = jnp.sum((bs_i <= g_eff).astype(jnp.int32),
                          axis=1, keepdims=True) - 1


def _run_router(x_flat, gate_W, gate_b):
    return pl.pallas_call(
        _router_body,
        out_shape=[
            jax.ShapeDtypeStruct((T // 128, 128), jnp.int32),
            jax.ShapeDtypeStruct((G, 1), jnp.int32),
            jax.ShapeDtypeStruct((1, 1), jnp.int32),
        ],
        in_specs=[
            pl.BlockSpec((T, D), lambda: (0, 0)),
            pl.BlockSpec((D, E), lambda: (0, 0)),
            pl.BlockSpec((1, E), lambda: (0, 0)),
        ],
        out_specs=[
            pl.BlockSpec((T // 128, 128), lambda: (0, 0)),
            pl.BlockSpec((G, 1), lambda: (0, 0)),
            pl.BlockSpec((1, 1), lambda: (0, 0)),
        ],
        scratch_shapes=[
            pltpu.VMEM((T, E), jnp.float32),
            pltpu.VMEM((T, E), jnp.float32),
        ],
    )(x_flat, gate_W, gate_b)


def _ffn_body(eb_s, na_s, xs_ref, w1_ref, b1_ref, w2_ref, b2_ref, out_ref):
    xb = xs_ref[...]
    h = jnp.maximum(
        jnp.dot(xb, w1_ref[0], preferred_element_type=jnp.float32)
        + b1_ref[0], 0.0)
    out_ref[...] = (jnp.dot(h, w2_ref[0],
                            preferred_element_type=jnp.float32)
                    + b2_ref[0])


def _run_ffn(eb, na, xs, W1, b1, W2, b2):
    grid_spec = pltpu.PrefetchScalarGridSpec(
        num_scalar_prefetch=2,
        grid=(G,),
        in_specs=[
            pl.BlockSpec((TB, D), lambda g, eb_s, na_s: (g, 0)),
            pl.BlockSpec((1, D, FF), lambda g, eb_s, na_s: (eb_s[g], 0, 0)),
            pl.BlockSpec((1, 1, FF), lambda g, eb_s, na_s: (eb_s[g], 0, 0)),
            pl.BlockSpec((1, FF, D), lambda g, eb_s, na_s: (eb_s[g], 0, 0)),
            pl.BlockSpec((1, 1, D), lambda g, eb_s, na_s: (eb_s[g], 0, 0)),
        ],
        out_specs=pl.BlockSpec((TB, D), lambda g, eb_s, na_s: (g, 0)),
    )
    return pl.pallas_call(
        _ffn_body,
        grid_spec=grid_spec,
        out_shape=jax.ShapeDtypeStruct((P, D), jnp.float32),
    )(eb, na, xs, W1, b1.reshape(E, 1, FF), W2, b2.reshape(E, 1, D))


@functools.lru_cache(maxsize=None)
def _sc_kernels():
    mesh = plsc.VectorSubcoreMesh(core_axis_name="c", subcore_axis_name="s")

    @functools.partial(
        pl.kernel, mesh=mesh,
        out_type=jax.ShapeDtypeStruct((P, D), jnp.float32),
        scratch_types=[
            pltpu.VMEM((CHK,), jnp.int32),
            pltpu.VMEM((CHK, D), jnp.float32),
            pltpu.SemaphoreType.DMA,
        ],
    )
    def sc_dispatch(x_hbm, pos_hbm, xs_hbm, idx_v, rows_v, sem):
        wid = lax.axis_index("s") * 2 + lax.axis_index("c")
        pltpu.sync_copy(
            pos_hbm.at[wid // 2, pl.ds((wid % 2) * CHK, CHK)], idx_v)
        pltpu.sync_copy(x_hbm.at[wid], rows_v)
        pltpu.async_copy(rows_v, xs_hbm.at[idx_v], sem).wait()

    @functools.partial(
        pl.kernel, mesh=mesh,
        out_type=jax.ShapeDtypeStruct((T, 1, D), jnp.float32),
        scratch_types=[
            pltpu.VMEM((CHK,), jnp.int32),
            pltpu.VMEM((CHK, D), jnp.float32),
            pltpu.SemaphoreType.DMA,
        ],
    )
    def sc_combine(ys_hbm, pos_hbm, out_hbm, idx_v, rows_v, sem):
        wid = lax.axis_index("s") * 2 + lax.axis_index("c")
        base = wid * CHK
        pltpu.sync_copy(
            pos_hbm.at[wid // 2, pl.ds((wid % 2) * CHK, CHK)], idx_v)
        pltpu.async_copy(ys_hbm.at[idx_v], rows_v, sem).wait()
        pltpu.sync_copy(rows_v, out_hbm.at[pl.ds(base, CHK), 0])

    return sc_dispatch, sc_combine


def kernel(x, gate_W, gate_b, W1, b1, W2, b2):
    seq_len, batch, dim = x.shape
    x_flat = x.reshape(T, D)
    pos2, eb2, na2 = _run_router(x_flat, gate_W, gate_b.reshape(1, E))
    eb = eb2.reshape(G)
    na = na2.reshape(1)
    sc_dispatch, sc_combine = _sc_kernels()
    xs = sc_dispatch(x.reshape(NW, CHK, D), pos2)
    ys = _run_ffn(eb, na, xs, W1, b1, W2, b2)
    out = sc_combine(ys, pos2)
    return out.reshape(seq_len, batch, dim)

# --- scband reference (transcript-rebuilt; emitter-appended) ---
"""Pipeline reference for scband-mo-elayer-1468878815864 (READ-ONLY COPY).

The authoritative reference and input builder live on the scoring server;
editing this copy changes nothing except your own understanding.
"""

import jax, jax.numpy as jnp
import numpy as np

SEQ_LEN = 2048
BATCH = 1
D_MODEL = 768
D_FF = 1024
NUM_EXPERTS = 16
TOP_K = 1


def setup_inputs(seed: int = 0) -> dict:
    key = jax.random.key(seed)
    ks = jax.random.split(key, 8)
    x = jax.random.normal(ks[0], (SEQ_LEN, BATCH, D_MODEL), dtype=jnp.float32)
    gate_W = jax.random.normal(ks[1], (D_MODEL, NUM_EXPERTS), dtype=jnp.float32) * 0.02
    gate_b = jnp.zeros((NUM_EXPERTS,), dtype=jnp.float32)
    W1 = jax.random.normal(ks[2], (NUM_EXPERTS, D_MODEL, D_FF), dtype=jnp.float32) * 0.02
    b1 = jnp.zeros((NUM_EXPERTS, D_FF), dtype=jnp.float32)
    W2 = jax.random.normal(ks[3], (NUM_EXPERTS, D_FF, D_MODEL), dtype=jnp.float32) * 0.02
    b2 = jnp.zeros((NUM_EXPERTS, D_MODEL), dtype=jnp.float32)
    return {"x": x, "gate_W": gate_W, "gate_b": gate_b, "W1": W1, "b1": b1, "W2": W2, "b2": b2}


def reference(x, gate_W, gate_b, W1, b1, W2, b2):
    seq_len, batch_size, dim = x.shape
    x_flat = x.reshape(-1, dim)
    # gate
    scores = x_flat @ gate_W + gate_b                      # [T, E]
    topk_vals, topk_idx = jax.lax.top_k(scores, TOP_K)     # [T, K]
    topk_probs = jax.nn.softmax(topk_vals, axis=-1)        # [T, K]
    # combine weights per (token, expert): sum of slot probs routed to expert e
    onehot = jax.nn.one_hot(topk_idx, NUM_EXPERTS, dtype=x_flat.dtype)  # [T, K, E]
    combine = jnp.einsum('tk,tke->te', topk_probs, onehot)              # [T, E]
    # masked-dense expert dispatch (mathematically identical to torch's boolean-mask
    # gather/scatter accumulation, since the FFN is applied per-token)
    expert_outputs = jnp.zeros_like(x_flat)
    for e in range(NUM_EXPERTS):
        h = jax.nn.relu(x_flat @ W1[e] + b1[e])
        y = h @ W2[e] + b2[e]
        expert_outputs = expert_outputs + combine[:, e:e + 1] * y
    return expert_outputs.reshape(seq_len, batch_size, dim)

if __name__ == "__main__":
    import jax
    _d = setup_inputs()
    print(jax.jit(kernel)(*tuple(_d.values())))

</pallas_src>

<mosaic_0001>
#map = affine_map<(d0, d1) -> (0, 0)>
#map1 = affine_map<(d0, d1) -> (0, 0, 0)>
module attributes {stable_mosaic.version = 14 : i64} {
  func.func @sc_combine(%arg0: i32, %arg1: i32, %arg2: memref<6144x768xf32, #tpu.memory_space<hbm>>, %arg3: memref<16x128xi32, #tpu.memory_space<hbm>>, %arg4: memref<2048x1x768xf32, #tpu.memory_space<hbm>>, %arg5: memref<64xi32, #tpu.memory_space<vmem>>, %arg6: memref<64x768xf32, #tpu.memory_space<vmem>>, %arg7: memref<!tpu.dma_semaphore, #tpu.memory_space<semaphore_mem>>) attributes {dimension_semantics = [#tpu.dimension_semantics<core_parallel>, #tpu.dimension_semantics<subcore_parallel>], iteration_bounds = array<i64: 2, 16>, scalar_prefetch = 0 : i64, scratch_operands = 3 : i64, tpu.core_type = #tpu.core_type<sc_vector_subcore>, window_params = [{transform_indices = #map}, {transform_indices = #map}, {transform_indices = #map1}]} {
    %mul3A = arith.constant 2 : i32
    %mul3A_0 = arith.muli %arg1, %mul3A : i32
    %add3A = arith.addi %mul3A_0, %arg0 : i32
    %mul3A_1 = arith.constant 64 : i32
    %mul3A_2 = arith.muli %add3A, %mul3A_1 : i32
    %jit3A = arith.constant 2 : i32
    %div3A = arith.divsi %add3A, %jit3A : i32
    %sign3A = arith.constant 0 : i32
    %sign3A_3 = arith.cmpi sgt, %add3A, %sign3A : i32
    %sign3A_4 = arith.extui %sign3A_3 : i1 to i32
    %sign3A_5 = arith.constant 0 : i32
    %sign3A_6 = arith.cmpi slt, %add3A, %sign3A_5 : i32
    %sign3A_7 = arith.extui %sign3A_6 : i1 to i32
    %sign3A_8 = arith.subi %sign3A_4, %sign3A_7 : i32
    %sign3A_9 = arith.constant 0 : i32
    %sign3A_10 = arith.cmpi sgt, %jit3A, %sign3A_9 : i32
    %sign3A_11 = arith.extui %sign3A_10 : i1 to i32
    %sign3A_12 = arith.constant 0 : i32
    %sign3A_13 = arith.cmpi slt, %jit3A, %sign3A_12 : i32
    %sign3A_14 = arith.extui %sign3A_13 : i1 to i32
    %sign3A_15 = arith.subi %sign3A_11, %sign3A_14 : i32
    %ne3A = arith.cmpi ne, %sign3A_8, %sign3A_15 : i32
    %rem3A = arith.remsi %add3A, %jit3A : i32
    %ne3A_16 = arith.constant 0 : i32
    %ne3A_17 = arith.cmpi ne, %rem3A, %ne3A_16 : i32
    %and3A = arith.andi %ne3A, %ne3A_17 : i1
    %sub3A = arith.constant 1 : i32
    %sub3A_18 = arith.subi %div3A, %sub3A : i32
    %select_n3A = arith.select %and3A, %sub3A_18, %div3A : i32
    %jit3A_19 = arith.constant 2 : i32
    %eq3A = arith.constant 0 : i32
    %eq3A_20 = arith.cmpi eq, %jit3A_19, %eq3A : i32
    %jit3A_21 = arith.constant 1 : i32
    %select_n3A_22 = arith.select %eq3A_20, %jit3A_21, %jit3A_19 : i32
    %rem3A_23 = arith.remsi %add3A, %select_n3A_22 : i32
    %ne3A_24 = arith.constant 0 : i32
    %ne3A_25 = arith.cmpi ne, %rem3A_23, %ne3A_24 : i32
    %lt3A = arith.constant 0 : i32
    %lt3A_26 = arith.cmpi slt, %rem3A_23, %lt3A : i32
    %lt3A_27 = arith.constant 0 : i32
    %lt3A_28 = arith.cmpi slt, %select_n3A_22, %lt3A_27 : i32
    %ne3A_29 = arith.xori %lt3A_26, %lt3A_28 : i1
    %and3A_30 = arith.andi %ne3A_29, %ne3A_25 : i1
    %add3A_31 = arith.addi %rem3A_23, %select_n3A_22 : i32
    %select_n3A_32 = arith.select %and3A_30, %add3A_31, %rem3A_23 : i32
    %mul3A_33 = arith.constant 64 : i32
    %mul3A_34 = arith.muli %select_n3A_32, %mul3A_33 : i32
    "tpu.region"() ({
      %run_scoped3A_39 = tpu.sem_alloc : memref<!tpu.dma_semaphore, #tpu.memory_space<semaphore_mem>>
      %dma_start3A_40 = tpu.memref_slice %arg3[%select_n3A, %mul3A_34] : memref<16x128xi32, #tpu.memory_space<hbm>> -> memref<1x64xi32, #tpu.memory_space<hbm>>
      %dma_start3A_41 = tpu.memref_squeeze %dma_start3A_40 : memref<1x64xi32, #tpu.memory_space<hbm>> -> memref<64xi32, #tpu.memory_space<hbm>>
      %dma_start3A_42 = tpu.memref_slice %arg3[%select_n3A, %mul3A_34] : memref<16x128xi32, #tpu.memory_space<hbm>> -> memref<1x64xi32, #tpu.memory_space<hbm>>
      %dma_start3A_43 = tpu.memref_squeeze %dma_start3A_42 : memref<1x64xi32, #tpu.memory_space<hbm>> -> memref<64xi32, #tpu.memory_space<hbm>>
      tpu.enqueue_dma source(%dma_start3A_43 : memref<64xi32, #tpu.memory_space<hbm>>) target(%arg5 : memref<64xi32, #tpu.memory_space<vmem>>) target_semaphore(%run_scoped3A_39 : memref<!tpu.dma_semaphore, #tpu.memory_space<semaphore_mem>>)
      %dma_wait3A_44 = tpu.memref_slice %arg3[%select_n3A, %mul3A_34] : memref<16x128xi32, #tpu.memory_space<hbm>> -> memref<1x64xi32, #tpu.memory_space<hbm>>
      %dma_wait3A_45 = tpu.memref_squeeze %dma_wait3A_44 : memref<1x64xi32, #tpu.memory_space<hbm>> -> memref<64xi32, #tpu.memory_space<hbm>>
      %dma_wait3A_46 = tpu.memref_slice %arg3[%select_n3A, %mul3A_34] : memref<16x128xi32, #tpu.memory_space<hbm>> -> memref<1x64xi32, #tpu.memory_space<hbm>>
      %dma_wait3A_47 = tpu.memref_squeeze %dma_wait3A_46 : memref<1x64xi32, #tpu.memory_space<hbm>> -> memref<64xi32, #tpu.memory_space<hbm>>
      tpu.wait_dma2 semaphore(%run_scoped3A_39 : memref<!tpu.dma_semaphore, #tpu.memory_space<semaphore_mem>>) src(%dma_wait3A_47 : memref<64xi32, #tpu.memory_space<hbm>>) dst(%arg5 : memref<64xi32, #tpu.memory_space<vmem>>)
      tpu.yield
    }) : () -> ()
    %dma_start3A = arith.constant 0 : i32
    %dma_start3A_35 = arith.constant 0 : i32
    %dma_start3A_36 = tpu.memref_slice %arg2[%dma_start3A, %dma_start3A_35] : memref<6144x768xf32, #tpu.memory_space<hbm>> -> memref<6144x768xf32, #tpu.memory_space<hbm>>
    tpu.enqueue_indirect_dma source(%dma_start3A_36 : memref<6144x768xf32, #tpu.memory_space<hbm>>) target(%arg6 : memref<64x768xf32, #tpu.memory_space<vmem>>) offsets(%arg5 : memref<64xi32, #tpu.memory_space<vmem>>) semaphore(%arg7 : memref<!tpu.dma_semaphore, #tpu.memory_space<semaphore_mem>>)
    %dma_wait3A = arith.constant 0 : i32
    %dma_wait3A_37 = arith.constant 0 : i32
    %dma_wait3A_38 = tpu.memref_slice %arg2[%dma_wait3A, %dma_wait3A_37] : memref<6144x768xf32, #tpu.memory_space<hbm>> -> memref<6144x768xf32, #tpu.memory_space<hbm>>
    tpu.wait_indirect_dma semaphore(%arg7 : memref<!tpu.dma_semaphore, #tpu.memory_space<semaphore_mem>>) src(%dma_wait3A_38 : memref<6144x768xf32, #tpu.memory_space<hbm>>) dst(%arg6 : memref<64x768xf32, #tpu.memory_space<vmem>>)
    %run_scoped3A = arith.constant 0 : i32
    "tpu.region"() ({
      %run_scoped3A_39 = tpu.sem_alloc : memref<!tpu.dma_semaphore, #tpu.memory_space<semaphore_mem>>
      %dma_start3A_40 = arith.constant 0 : i32
      %dma_start3A_41 = tpu.memref_slice %arg4[%mul3A_2, %run_scoped3A, %dma_start3A_40] : memref<2048x1x768xf32, #tpu.memory_space<hbm>> -> memref<64x1x768xf32, #tpu.memory_space<hbm>>
      %dma_start3A_42 = tpu.memref_squeeze %dma_start3A_41 : memref<64x1x768xf32, #tpu.memory_space<hbm>> -> memref<64x768xf32, #tpu.memory_space<hbm>>
      %dma_start3A_43 = arith.constant 0 : i32
      %dma_start3A_44 = tpu.memref_slice %arg4[%mul3A_2, %run_scoped3A, %dma_start3A_43] : memref<2048x1x768xf32, #tpu.memory_space<hbm>> -> memref<64x1x768xf32, #tpu.memory_space<hbm>>
      %dma_start3A_45 = tpu.memref_squeeze %dma_start3A_44 : memref<64x1x768xf32, #tpu.memory_space<hbm>> -> memref<64x768xf32, #tpu.memory_space<hbm>>
      tpu.enqueue_dma source(%arg6 : memref<64x768xf32, #tpu.memory_space<vmem>>) target(%dma_start3A_45 : memref<64x768xf32, #tpu.memory_space<hbm>>) target_semaphore(%run_scoped3A_39 : memref<!tpu.dma_semaphore, #tpu.memory_space<semaphore_mem>>)
      %dma_wait3A_46 = arith.constant 0 : i32
      %dma_wait3A_47 = tpu.memref_slice %arg4[%mul3A_2, %run_scoped3A, %dma_wait3A_46] : memref<2048x1x768xf32, #tpu.memory_space<hbm>> -> memref<64x1x768xf32, #tpu.memory_space<hbm>>
      %dma_wait3A_48 = tpu.memref_squeeze %dma_wait3A_47 : memref<64x1x768xf32, #tpu.memory_space<hbm>> -> memref<64x768xf32, #tpu.memory_space<hbm>>
      %dma_wait3A_49 = arith.constant 0 : i32
      %dma_wait3A_50 = tpu.memref_slice %arg4[%mul3A_2, %run_scoped3A, %dma_wait3A_49] : memref<2048x1x768xf32, #tpu.memory_space<hbm>> -> memref<64x1x768xf32, #tpu.memory_space<hbm>>
      %dma_wait3A_51 = tpu.memref_squeeze %dma_wait3A_50 : memref<64x1x768xf32, #tpu.memory_space<hbm>> -> memref<64x768xf32, #tpu.memory_space<hbm>>
      tpu.wait_dma2 semaphore(%run_scoped3A_39 : memref<!tpu.dma_semaphore, #tpu.memory_space<semaphore_mem>>) src(%arg6 : memref<64x768xf32, #tpu.memory_space<vmem>>) dst(%dma_wait3A_51 : memref<64x768xf32, #tpu.memory_space<hbm>>)
      tpu.yield
    }) : () -> ()
    return
  }
}

#map = affine_map<(d0, d1) -> (0, 0, 0)>
#map1 = affine_map<(d0, d1) -> (0, 0)>
module attributes {stable_mosaic.version = 14 : i64} {
  func.func @sc_dispatch(%arg0: i32, %arg1: i32, %arg2: memref<32x64x768xf32, #tpu.memory_space<hbm>>, %arg3: memref<16x128xi32, #tpu.memory_space<hbm>>, %arg4: memref<6144x768xf32, #tpu.memory_space<hbm>>, %arg5: memref<64xi32, #tpu.memory_space<vmem>>, %arg6: memref<64x768xf32, #tpu.memory_space<vmem>>, %arg7: memref<!tpu.dma_semaphore, #tpu.memory_space<semaphore_mem>>) attributes {dimension_semantics = [#tpu.dimension_semantics<core_parallel>, #tpu.dimension_semantics<subcore_parallel>], iteration_bounds = array<i64: 2, 16>, scalar_prefetch = 0 : i64, scratch_operands = 3 : i64, tpu.core_type = #tpu.core_type<sc_vector_subcore>, window_params = [{transform_indices = #map}, {transform_indices = #map1}, {transform_indices = #map1}]} {
    %mul3A = arith.constant 2 : i32
    %mul3A_0 = arith.muli %arg1, %mul3A : i32
    %add3A = arith.addi %mul3A_0, %arg0 : i32
    %jit3A = arith.constant 2 : i32
    %div3A = arith.divsi %add3A, %jit3A : i32
    %sign3A = arith.constant 0 : i32
    %sign3A_1 = arith.cmpi sgt, %add3A, %sign3A : i32
    %sign3A_2 = arith.extui %sign3A_1 : i1 to i32
    %sign3A_3 = arith.constant 0 : i32
    %sign3A_4 = arith.cmpi slt, %add3A, %sign3A_3 : i32
    %sign3A_5 = arith.extui %sign3A_4 : i1 to i32
    %sign3A_6 = arith.subi %sign3A_2, %sign3A_5 : i32
    %sign3A_7 = arith.constant 0 : i32
    %sign3A_8 = arith.cmpi sgt, %jit3A, %sign3A_7 : i32
    %sign3A_9 = arith.extui %sign3A_8 : i1 to i32
    %sign3A_10 = arith.constant 0 : i32
    %sign3A_11 = arith.cmpi slt, %jit3A, %sign3A_10 : i32
    %sign3A_12 = arith.extui %sign3A_11 : i1 to i32
    %sign3A_13 = arith.subi %sign3A_9, %sign3A_12 : i32
    %ne3A = arith.cmpi ne, %sign3A_6, %sign3A_13 : i32
    %rem3A = arith.remsi %add3A, %jit3A : i32
    %ne3A_14 = arith.constant 0 : i32
    %ne3A_15 = arith.cmpi ne, %rem3A, %ne3A_14 : i32
    %and3A = arith.andi %ne3A, %ne3A_15 : i1
    %sub3A = arith.constant 1 : i32
    %sub3A_16 = arith.subi %div3A, %sub3A : i32
    %select_n3A = arith.select %and3A, %sub3A_16, %div3A : i32
    %jit3A_17 = arith.constant 2 : i32
    %eq3A = arith.constant 0 : i32
    %eq3A_18 = arith.cmpi eq, %jit3A_17, %eq3A : i32
    %jit3A_19 = arith.constant 1 : i32
    %select_n3A_20 = arith.select %eq3A_18, %jit3A_19, %jit3A_17 : i32
    %rem3A_21 = arith.remsi %add3A, %select_n3A_20 : i32
    %ne3A_22 = arith.constant 0 : i32
    %ne3A_23 = arith.cmpi ne, %rem3A_21, %ne3A_22 : i32
    %lt3A = arith.constant 0 : i32
    %lt3A_24 = arith.cmpi slt, %rem3A_21, %lt3A : i32
    %lt3A_25 = arith.constant 0 : i32
    %lt3A_26 = arith.cmpi slt, %select_n3A_20, %lt3A_25 : i32
    %ne3A_27 = arith.xori %lt3A_24, %lt3A_26 : i1
    %and3A_28 = arith.andi %ne3A_27, %ne3A_23 : i1
    %add3A_29 = arith.addi %rem3A_21, %select_n3A_20 : i32
    %select_n3A_30 = arith.select %and3A_28, %add3A_29, %rem3A_21 : i32
    %mul3A_31 = arith.constant 64 : i32
    %mul3A_32 = arith.muli %select_n3A_30, %mul3A_31 : i32
    "tpu.region"() ({
      %run_scoped3A = tpu.sem_alloc : memref<!tpu.dma_semaphore, #tpu.memory_space<semaphore_mem>>
      %dma_start3A_37 = tpu.memref_slice %arg3[%select_n3A, %mul3A_32] : memref<16x128xi32, #tpu.memory_space<hbm>> -> memref<1x64xi32, #tpu.memory_space<hbm>>
      %dma_start3A_38 = tpu.memref_squeeze %dma_start3A_37 : memref<1x64xi32, #tpu.memory_space<hbm>> -> memref<64xi32, #tpu.memory_space<hbm>>
      %dma_start3A_39 = tpu.memref_slice %arg3[%select_n3A, %mul3A_32] : memref<16x128xi32, #tpu.memory_space<hbm>> -> memref<1x64xi32, #tpu.memory_space<hbm>>
      %dma_start3A_40 = tpu.memref_squeeze %dma_start3A_39 : memref<1x64xi32, #tpu.memory_space<hbm>> -> memref<64xi32, #tpu.memory_space<hbm>>
      tpu.enqueue_dma source(%dma_start3A_40 : memref<64xi32, #tpu.memory_space<hbm>>) target(%arg5 : memref<64xi32, #tpu.memory_space<vmem>>) target_semaphore(%run_scoped3A : memref<!tpu.dma_semaphore, #tpu.memory_space<semaphore_mem>>)
      %dma_wait3A_41 = tpu.memref_slice %arg3[%select_n3A, %mul3A_32] : memref<16x128xi32, #tpu.memory_space<hbm>> -> memref<1x64xi32, #tpu.memory_space<hbm>>
      %dma_wait3A_42 = tpu.memref_squeeze %dma_wait3A_41 : memref<1x64xi32, #tpu.memory_space<hbm>> -> memref<64xi32, #tpu.memory_space<hbm>>
      %dma_wait3A_43 = tpu.memref_slice %arg3[%select_n3A, %mul3A_32] : memref<16x128xi32, #tpu.memory_space<hbm>> -> memref<1x64xi32, #tpu.memory_space<hbm>>
      %dma_wait3A_44 = tpu.memref_squeeze %dma_wait3A_43 : memref<1x64xi32, #tpu.memory_space<hbm>> -> memref<64xi32, #tpu.memory_space<hbm>>
      tpu.wait_dma2 semaphore(%run_scoped3A : memref<!tpu.dma_semaphore, #tpu.memory_space<semaphore_mem>>) src(%dma_wait3A_44 : memref<64xi32, #tpu.memory_space<hbm>>) dst(%arg5 : memref<64xi32, #tpu.memory_space<vmem>>)
      tpu.yield
    }) : () -> ()
    "tpu.region"() ({
      %run_scoped3A = tpu.sem_alloc : memref<!tpu.dma_semaphore, #tpu.memory_space<semaphore_mem>>
      %dma_start3A_37 = arith.constant 0 : i32
      %dma_start3A_38 = arith.constant 0 : i32
      %dma_start3A_39 = tpu.memref_slice %arg2[%add3A, %dma_start3A_37, %dma_start3A_38] : memref<32x64x768xf32, #tpu.memory_space<hbm>> -> memref<1x64x768xf32, #tpu.memory_space<hbm>>
      %dma_start3A_40 = tpu.memref_squeeze %dma_start3A_39 : memref<1x64x768xf32, #tpu.memory_space<hbm>> -> memref<64x768xf32, #tpu.memory_space<hbm>>
      %dma_start3A_41 = arith.constant 0 : i32
      %dma_start3A_42 = arith.constant 0 : i32
      %dma_start3A_43 = tpu.memref_slice %arg2[%add3A, %dma_start3A_41, %dma_start3A_42] : memref<32x64x768xf32, #tpu.memory_space<hbm>> -> memref<1x64x768xf32, #tpu.memory_space<hbm>>
      %dma_start3A_44 = tpu.memref_squeeze %dma_start3A_43 : memref<1x64x768xf32, #tpu.memory_space<hbm>> -> memref<64x768xf32, #tpu.memory_space<hbm>>
      tpu.enqueue_dma source(%dma_start3A_44 : memref<64x768xf32, #tpu.memory_space<hbm>>) target(%arg6 : memref<64x768xf32, #tpu.memory_space<vmem>>) target_semaphore(%run_scoped3A : memref<!tpu.dma_semaphore, #tpu.memory_space<semaphore_mem>>)
      %dma_wait3A_45 = arith.constant 0 : i32
      %dma_wait3A_46 = arith.constant 0 : i32
      %dma_wait3A_47 = tpu.memref_slice %arg2[%add3A, %dma_wait3A_45, %dma_wait3A_46] : memref<32x64x768xf32, #tpu.memory_space<hbm>> -> memref<1x64x768xf32, #tpu.memory_space<hbm>>
      %dma_wait3A_48 = tpu.memref_squeeze %dma_wait3A_47 : memref<1x64x768xf32, #tpu.memory_space<hbm>> -> memref<64x768xf32, #tpu.memory_space<hbm>>
      %dma_wait3A_49 = arith.constant 0 : i32
      %dma_wait3A_50 = arith.constant 0 : i32
      %dma_wait3A_51 = tpu.memref_slice %arg2[%add3A, %dma_wait3A_49, %dma_wait3A_50] : memref<32x64x768xf32, #tpu.memory_space<hbm>> -> memref<1x64x768xf32, #tpu.memory_space<hbm>>
      %dma_wait3A_52 = tpu.memref_squeeze %dma_wait3A_51 : memref<1x64x768xf32, #tpu.memory_space<hbm>> -> memref<64x768xf32, #tpu.memory_space<hbm>>
      tpu.wait_dma2 semaphore(%run_scoped3A : memref<!tpu.dma_semaphore, #tpu.memory_space<semaphore_mem>>) src(%dma_wait3A_52 : memref<64x768xf32, #tpu.memory_space<hbm>>) dst(%arg6 : memref<64x768xf32, #tpu.memory_space<vmem>>)
      tpu.yield
    }) : () -> ()
    %dma_start3A = arith.constant 0 : i32
    %dma_start3A_33 = arith.constant 0 : i32
    %dma_start3A_34 = tpu.memref_slice %arg4[%dma_start3A, %dma_start3A_33] : memref<6144x768xf32, #tpu.memory_space<hbm>> -> memref<6144x768xf32, #tpu.memory_space<hbm>>
    tpu.enqueue_indirect_dma source(%arg6 : memref<64x768xf32, #tpu.memory_space<vmem>>) target(%dma_start3A_34 : memref<6144x768xf32, #tpu.memory_space<hbm>>) offsets(%arg5 : memref<64xi32, #tpu.memory_space<vmem>>) semaphore(%arg7 : memref<!tpu.dma_semaphore, #tpu.memory_space<semaphore_mem>>)
    %dma_wait3A = arith.constant 0 : i32
    %dma_wait3A_35 = arith.constant 0 : i32
    %dma_wait3A_36 = tpu.memref_slice %arg4[%dma_wait3A, %dma_wait3A_35] : memref<6144x768xf32, #tpu.memory_space<hbm>> -> memref<6144x768xf32, #tpu.memory_space<hbm>>
    tpu.wait_indirect_dma semaphore(%arg7 : memref<!tpu.dma_semaphore, #tpu.memory_space<semaphore_mem>>) src(%arg6 : memref<64x768xf32, #tpu.memory_space<vmem>>) dst(%dma_wait3A_36 : memref<6144x768xf32, #tpu.memory_space<hbm>>)
    return
  }
}

module attributes {stable_mosaic.version = 14 : i64} {
  func.func @_router_body(%arg0: memref<2048x768xf32, #tpu.memory_space<vmem>>, %arg1: memref<768x16xf32, #tpu.memory_space<vmem>>, %arg2: memref<1x16xf32, #tpu.memory_space<vmem>>, %arg3: memref<16x128xi32, #tpu.memory_space<vmem>>, %arg4: memref<24x1xi32, #tpu.memory_space<vmem>>, %arg5: memref<1x1xi32, #tpu.memory_space<vmem>>, %arg6: memref<2048x16xf32, #tpu.memory_space<vmem>>, %arg7: memref<2048x16xf32, #tpu.memory_space<vmem>>) attributes {dimension_semantics = [], scalar_prefetch = 0 : i64, scratch_operands = 2 : i64, tpu.core_type = #tpu.core_type<tc>} {
    %get3A = arith.constant 0 : index
    %get3A_0 = arith.constant 0 : index
    %get3A_1 = vector.load %arg0[%get3A, %get3A_0] : memref<2048x768xf32, #tpu.memory_space<vmem>>, vector<2048x768xf32>
    %get3A_2 = arith.constant 0 : index
    %get3A_3 = arith.constant 0 : index
    %get3A_4 = vector.load %arg1[%get3A_2, %get3A_3] : memref<768x16xf32, #tpu.memory_space<vmem>>, vector<768x16xf32>
    %dot_general3A = arith.constant dense<0.000000e+00> : vector<2048x16xf32>
    %dot_general3A_5 = tpu.matmul %get3A_1, %get3A_4, %dot_general3A {dimension_numbers = #tpu.dot_dimension_numbers<[1], [0], [0], [1], [0, 0, 1, 1], [], []>, transpose_lhs_hint = false} : vector<2048x768xf32>, vector<768x16xf32>, vector<2048x16xf32> -> vector<2048x16xf32>
    %get3A_6 = arith.constant 0 : index
    %get3A_7 = arith.constant 0 : index
    %get3A_8 = vector.load %arg2[%get3A_6, %get3A_7] : memref<1x16xf32, #tpu.memory_space<vmem>>, vector<1x16xf32>
    %add3A = vector.broadcast %get3A_8 : vector<1x16xf32> to vector<2048x16xf32>
    %add3A_9 = arith.addf %dot_general3A_5, %add3A : vector<2048x16xf32>
    %iota3A = tpu.iota {dimensions = array<i32: 1>} : vector<2048x16xi32>
    %reduce_max3A = arith.constant dense<0xFF800000> : vector<2048xf32>
    %reduce_max3A_10 = vector.multi_reduction <maximumf>, %add3A_9, %reduce_max3A [1] : vector<2048x16xf32> to vector<2048xf32>
    %broadcast_in_dim3A = vector.shape_cast %reduce_max3A_10 : vector<2048xf32> to vector<2048x1xf32>
    %ge3A = vector.broadcast %broadcast_in_dim3A : vector<2048x1xf32> to vector<2048x16xf32>
    %ge3A_11 = arith.cmpf oge, %add3A_9, %ge3A : vector<2048x16xf32>
    %jit3A = arith.constant 16 : i32
    %broadcast_in_dim3A_12 = vector.broadcast %jit3A : i32 to vector<2048x16xi32>
    %select_n3A = arith.select %ge3A_11, %iota3A, %broadcast_in_dim3A_12 : vector<2048x16xi1>, vector<2048x16xi32>
    %reduce_min3A = arith.constant dense<2147483647> : vector<2048xi32>
    %reduce_min3A_13 = vector.multi_reduction <minsi>, %select_n3A, %reduce_min3A [1] : vector<2048x16xi32> to vector<2048xi32>
    %broadcast_in_dim3A_14 = vector.shape_cast %reduce_min3A_13 : vector<2048xi32> to vector<2048x1xi32>
    %eq3A = vector.broadcast %broadcast_in_dim3A_14 : vector<2048x1xi32> to vector<2048x16xi32>
    %eq3A_15 = arith.cmpi eq, %iota3A, %eq3A : vector<2048x16xi32>
    %convert_element_type3A = arith.extui %eq3A_15 : vector<2048x16xi1> to vector<2048x16xi32>
    %convert_element_type3A_16 = arith.sitofp %convert_element_type3A : vector<2048x16xi32> to vector<2048x16xf32>
    %swap3A = arith.constant 0 : index
    %swap3A_17 = arith.constant 0 : index
    %swap3A_18 = vector.load %arg6[%swap3A, %swap3A_17] : memref<2048x16xf32, #tpu.memory_space<vmem>>, vector<2048x16xf32>
    tpu.vector_store %arg6[%swap3A, %swap3A_17], %convert_element_type3A_16 {strides = array<i32>} : memref<2048x16xf32, #tpu.memory_space<vmem>>, vector<2048x16xf32>,
    %iota3A_19 = tpu.iota {dimensions = array<i32: 0>} : vector<256x256xi32>
    %iota3A_20 = tpu.iota {dimensions = array<i32: 1>} : vector<256x256xi32>
    %ge3A_21 = arith.cmpi sge, %iota3A_19, %iota3A_20 : vector<256x256xi32>
    %convert_element_type3A_22 = arith.extui %ge3A_21 : vector<256x256xi1> to vector<256x256xi32>
    %convert_element_type3A_23 = arith.sitofp %convert_element_type3A_22 : vector<256x256xi32> to vector<256x256xf32>
    %broadcast_in_dim3A_24 = arith.constant 0.000000e+00 : f32
    %broadcast_in_dim3A_25 = vector.broadcast %broadcast_in_dim3A_24 : f32 to vector<1x16xf32>
    %scan3A = arith.constant 0 : i32
    %scan3A_26 = arith.constant 8 : i32
    %scan3A_27 = arith.addi %scan3A, %scan3A_26 : i32
    %scan3A_28 = arith.constant 1 : i32
    %scan3A_29 = scf.for %scan3A_89 = %scan3A to %scan3A_27 step %scan3A_28 iter_args(%scan3A_90 = %broadcast_in_dim3A_25) -> (vector<1x16xf32>)  : i32 {
      %mul3A_91 = arith.constant 256 : i32
      %mul3A_92 = arith.muli %scan3A_89, %mul3A_91 : i32
      %get3A_93 = arith.index_cast %mul3A_92 : i32 to index
      %get3A_94 = arith.constant 0 : index
      %get3A_95 = vector.load %arg6[%get3A_93, %get3A_94] : memref<2048x16xf32, #tpu.memory_space<vmem>>, vector<256x16xf32>
      %dot_general3A_96 = arith.constant dense<0.000000e+00> : vector<256x16xf32>
      %dot_general3A_97 = tpu.matmul %convert_element_type3A_23, %get3A_95, %dot_general3A_96 {dimension_numbers = #tpu.dot_dimension_numbers<[1], [0], [0], [1], [0, 0, 1, 1], [], []>, transpose_lhs_hint = false} : vector<256x256xf32>, vector<256x16xf32>, vector<256x16xf32> -> vector<256x16xf32>
      %add3A_98 = vector.broadcast %scan3A_90 : vector<1x16xf32> to vector<256x16xf32>
      %add3A_99 = arith.addf %dot_general3A_97, %add3A_98 : vector<256x16xf32>
      %mul3A_100 = arith.constant 256 : i32
      %mul3A_101 = arith.muli %scan3A_89, %mul3A_100 : i32
      %swap3A_102 = arith.index_cast %mul3A_101 : i32 to index
      %swap3A_103 = arith.constant 0 : index
      %swap3A_104 = vector.load %arg7[%swap3A_102, %swap3A_103] : memref<2048x16xf32, #tpu.memory_space<vmem>>, vector<256x16xf32>
      tpu.vector_store %arg7[%swap3A_102, %swap3A_103], %add3A_99 {strides = array<i32>} : memref<2048x16xf32, #tpu.memory_space<vmem>>, vector<256x16xf32>,
      %slice3A_105 = vector.extract_strided_slice %add3A_99 {offsets = [255, 0], sizes = [1, 16], strides = [1, 1]} : vector<256x16xf32> to vector<1x16xf32>
      scf.yield %slice3A_105 : vector<1x16xf32>
    }
    %scan3A_30 = arith.constant 8 : i32
    %add3A_31 = arith.constant 2.550000e+02 : f32
    %add3A_32 = vector.broadcast %add3A_31 : f32 to vector<1x16xf32>
    %add3A_33 = arith.addf %scan3A_29, %add3A_32 : vector<1x16xf32>
    %div3A = arith.constant 2.560000e+02 : f32
    %div3A_34 = vector.broadcast %div3A : f32 to vector<1x16xf32>
    %div3A_35 = arith.divf %add3A_33, %div3A_34 : vector<1x16xf32>
    %floor3A = math.floor %div3A_35 : vector<1x16xf32>
    %iota3A_36 = tpu.iota {dimensions = array<i32: 0>} : vector<16x16xi32>
    %iota3A_37 = tpu.iota {dimensions = array<i32: 1>} : vector<16x16xi32>
    %lt3A = arith.cmpi slt, %iota3A_36, %iota3A_37 : vector<16x16xi32>
    %convert_element_type3A_38 = arith.extui %lt3A : vector<16x16xi1> to vector<16x16xi32>
    %convert_element_type3A_39 = arith.sitofp %convert_element_type3A_38 : vector<16x16xi32> to vector<16x16xf32>
    %dot_general3A_40 = arith.constant dense<0.000000e+00> : vector<1x16xf32>
    %dot_general3A_41 = tpu.matmul %floor3A, %convert_element_type3A_39, %dot_general3A_40 {dimension_numbers = #tpu.dot_dimension_numbers<[1], [0], [0], [1], [0, 0, 1, 1], [], []>, transpose_lhs_hint = false} : vector<1x16xf32>, vector<16x16xf32>, vector<1x16xf32> -> vector<1x16xf32>
    %slice3A = vector.extract_strided_slice %dot_general3A_41 {offsets = [0, 15], sizes = [1, 1], strides = [1, 1]} : vector<1x16xf32> to vector<1x1xf32>
    %slice3A_42 = vector.extract_strided_slice %floor3A {offsets = [0, 15], sizes = [1, 1], strides = [1, 1]} : vector<1x16xf32> to vector<1x1xf32>
    %add3A_43 = arith.addf %slice3A, %slice3A_42 : vector<1x1xf32>
    %convert_element_type3A_44 = arith.fptosi %add3A_43 : vector<1x1xf32> to vector<1x1xi32>
    %swap3A_45 = arith.constant 0 : index
    %swap3A_46 = arith.constant 0 : index
    %swap3A_47 = vector.load %arg5[%swap3A_45, %swap3A_46] : memref<1x1xi32, #tpu.memory_space<vmem>>, vector<1x1xi32>
    tpu.vector_store %arg5[%swap3A_45, %swap3A_46], %convert_element_type3A_44 {strides = array<i32>} : memref<1x1xi32, #tpu.memory_space<vmem>>, vector<1x1xi32>,
    %get3A_48 = arith.constant 0 : index
    %get3A_49 = arith.constant 0 : index
    %get3A_50 = vector.load %arg6[%get3A_48, %get3A_49] : memref<2048x16xf32, #tpu.memory_space<vmem>>, vector<2048x16xf32>
    %get3A_51 = arith.constant 0 : index
    %get3A_52 = arith.constant 0 : index
    %get3A_53 = vector.load %arg7[%get3A_51, %get3A_52] : memref<2048x16xf32, #tpu.memory_space<vmem>>, vector<2048x16xf32>
    %sub3A = arith.constant 1.000000e+00 : f32
    %sub3A_54 = vector.broadcast %sub3A : f32 to vector<2048x16xf32>
    %sub3A_55 = arith.subf %get3A_53, %sub3A_54 : vector<2048x16xf32>
    %mul3A = arith.mulf %get3A_50, %sub3A_55 : vector<2048x16xf32>
    %reduce_sum3A = arith.constant dense<0.000000e+00> : vector<2048xf32>
    %reduce_sum3A_56 = vector.multi_reduction <add>, %mul3A, %reduce_sum3A [1] : vector<2048x16xf32> to vector<2048xf32>
    %broadcast_in_dim3A_57 = vector.shape_cast %reduce_sum3A_56 : vector<2048xf32> to vector<2048x1xf32>
    %mul3A_58 = arith.constant 2.560000e+02 : f32
    %mul3A_59 = vector.broadcast %mul3A_58 : f32 to vector<1x16xf32>
    %mul3A_60 = arith.mulf %dot_general3A_41, %mul3A_59 : vector<1x16xf32>
    %mul3A_61 = vector.broadcast %mul3A_60 : vector<1x16xf32> to vector<2048x16xf32>
    %mul3A_62 = arith.mulf %get3A_50, %mul3A_61 : vector<2048x16xf32>
    %reduce_sum3A_63 = arith.constant dense<0.000000e+00> : vector<2048xf32>
    %reduce_sum3A_64 = vector.multi_reduction <add>, %mul3A_62, %reduce_sum3A_63 [1] : vector<2048x16xf32> to vector<2048xf32>
    %broadcast_in_dim3A_65 = vector.shape_cast %reduce_sum3A_64 : vector<2048xf32> to vector<2048x1xf32>
    %add3A_66 = arith.addf %broadcast_in_dim3A_57, %broadcast_in_dim3A_65 : vector<2048x1xf32>
    %convert_element_type3A_67 = arith.fptosi %add3A_66 : vector<2048x1xf32> to vector<2048x1xi32>
    %reshape3A = vector.shape_cast %convert_element_type3A_67 : vector<2048x1xi32> to vector<16x128xi32>
    %swap3A_68 = arith.constant 0 : index
    %swap3A_69 = arith.constant 0 : index
    %swap3A_70 = vector.load %arg3[%swap3A_68, %swap3A_69] : memref<16x128xi32, #tpu.memory_space<vmem>>, vector<16x128xi32>
    tpu.vector_store %arg3[%swap3A_68, %swap3A_69], %reshape3A {strides = array<i32>} : memref<16x128xi32, #tpu.memory_space<vmem>>, vector<16x128xi32>,
    %iota3A_71 = tpu.iota {dimensions = array<i32: 0>} : vector<24x1xi32>
    %sub3A_72 = arith.constant 1 : i32
    %sub3A_73 = vector.broadcast %sub3A_72 : i32 to vector<1x1xi32>
    %sub3A_74 = arith.subi %convert_element_type3A_44, %sub3A_73 : vector<1x1xi32>
    %min3A = vector.broadcast %sub3A_74 : vector<1x1xi32> to vector<24x1xi32>
    %min3A_75 = arith.minsi %iota3A_71, %min3A : vector<24x1xi32>
    %convert_element_type3A_76 = arith.fptosi %dot_general3A_41 : vector<1x16xf32> to vector<1x16xi32>
    %le3A = vector.broadcast %convert_element_type3A_76 : vector<1x16xi32> to vector<24x16xi32>
    %le3A_77 = vector.broadcast %min3A_75 : vector<24x1xi32> to vector<24x16xi32>
    %le3A_78 = arith.cmpi sle, %le3A, %le3A_77 : vector<24x16xi32>
    %convert_element_type3A_79 = arith.extui %le3A_78 : vector<24x16xi1> to vector<24x16xi32>
    %reduce_sum3A_80 = arith.constant dense<0> : vector<24xi32>
    %reduce_sum3A_81 = vector.multi_reduction <add>, %convert_element_type3A_79, %reduce_sum3A_80 [1] : vector<24x16xi32> to vector<24xi32>
    %broadcast_in_dim3A_82 = vector.shape_cast %reduce_sum3A_81 : vector<24xi32> to vector<24x1xi32>
    %sub3A_83 = arith.constant 1 : i32
    %sub3A_84 = vector.broadcast %sub3A_83 : i32 to vector<24x1xi32>
    %sub3A_85 = arith.subi %broadcast_in_dim3A_82, %sub3A_84 : vector<24x1xi32>
    %swap3A_86 = arith.constant 0 : index
    %swap3A_87 = arith.constant 0 : index
    %swap3A_88 = vector.load %arg4[%swap3A_86, %swap3A_87] : memref<24x1xi32, #tpu.memory_space<vmem>>, vector<24x1xi32>
    tpu.vector_store %arg4[%swap3A_86, %swap3A_87], %sub3A_85 {strides = array<i32>} : memref<24x1xi32, #tpu.memory_space<vmem>>, vector<24x1xi32>,
    return
  }
}

module attributes {stable_mosaic.version = 14 : i64} {
  func.func @_ffn_body(%arg0: i32, %arg1: memref<24xi32, #tpu.memory_space<smem>>, %arg2: memref<1xi32, #tpu.memory_space<smem>>, %arg3: memref<256x768xf32, #tpu.memory_space<vmem>>, %arg4: memref<1x768x1024xf32, #tpu.memory_space<vmem>>, %arg5: memref<1x1x1024xf32, #tpu.memory_space<vmem>>, %arg6: memref<1x1024x768xf32, #tpu.memory_space<vmem>>, %arg7: memref<1x1x768xf32, #tpu.memory_space<vmem>>, %arg8: memref<256x768xf32, #tpu.memory_space<vmem>>) attributes {dimension_semantics = [#tpu.dimension_semantics<arbitrary>], iteration_bounds = array<i64: 24>, scalar_prefetch = 2 : i64, scratch_operands = 0 : i64, tpu.core_type = #tpu.core_type<tc>, window_params = [{transform_indices = @transform_0, window_bounds = array<i64: 256, 768>}, {transform_indices = @transform_1, window_bounds = array<i64: 1, 768, 1024>}, {transform_indices = @transform_2, window_bounds = array<i64: 1, 1, 1024>}, {transform_indices = @transform_3, window_bounds = array<i64: 1, 1024, 768>}, {transform_indices = @transform_4, window_bounds = array<i64: 1, 1, 768>}, {transform_indices = @transform_5, window_bounds = array<i64: 256, 768>}]} {
    %get3A = arith.constant 0 : index
    %get3A_0 = arith.constant 0 : index
    %get3A_1 = vector.load %arg3[%get3A, %get3A_0] : memref<256x768xf32, #tpu.memory_space<vmem>>, vector<256x768xf32>
    %get3A_2 = arith.constant 0 : index
    %get3A_3 = arith.constant 0 : index
    %get3A_4 = arith.constant 0 : index
    %get3A_5 = vector.load %arg4[%get3A_2, %get3A_3, %get3A_4] : memref<1x768x1024xf32, #tpu.memory_space<vmem>>, vector<1x768x1024xf32>
    %get3A_6 = vector.shape_cast %get3A_5 : vector<1x768x1024xf32> to vector<768x1024xf32>
    %dot_general3A = arith.constant dense<0.000000e+00> : vector<256x1024xf32>
    %dot_general3A_7 = tpu.matmul %get3A_1, %get3A_6, %dot_general3A {dimension_numbers = #tpu.dot_dimension_numbers<[1], [0], [0], [1], [0, 0, 1, 1], [], []>, transpose_lhs_hint = false} : vector<256x768xf32>, vector<768x1024xf32>, vector<256x1024xf32> -> vector<256x1024xf32>
    %get3A_8 = arith.constant 0 : index
    %get3A_9 = arith.constant 0 : index
    %get3A_10 = arith.constant 0 : index
    %get3A_11 = vector.load %arg5[%get3A_8, %get3A_9, %get3A_10] : memref<1x1x1024xf32, #tpu.memory_space<vmem>>, vector<1x1x1024xf32>
    %get3A_12 = vector.shape_cast %get3A_11 : vector<1x1x1024xf32> to vector<1x1024xf32>
    %add3A = vector.broadcast %get3A_12 : vector<1x1024xf32> to vector<256x1024xf32>
    %add3A_13 = arith.addf %dot_general3A_7, %add3A : vector<256x1024xf32>
    %max3A = arith.constant 0.000000e+00 : f32
    %max3A_14 = vector.broadcast %max3A : f32 to vector<256x1024xf32>
    %max3A_15 = arith.maximumf %add3A_13, %max3A_14 : vector<256x1024xf32>
    %get3A_16 = arith.constant 0 : index
    %get3A_17 = arith.constant 0 : index
    %get3A_18 = arith.constant 0 : index
    %get3A_19 = vector.load %arg6[%get3A_16, %get3A_17, %get3A_18] : memref<1x1024x768xf32, #tpu.memory_space<vmem>>, vector<1x1024x768xf32>
    %get3A_20 = vector.shape_cast %get3A_19 : vector<1x1024x768xf32> to vector<1024x768xf32>
    %dot_general3A_21 = arith.constant dense<0.000000e+00> : vector<256x768xf32>
    %dot_general3A_22 = tpu.matmul %max3A_15, %get3A_20, %dot_general3A_21 {dimension_numbers = #tpu.dot_dimension_numbers<[1], [0], [0], [1], [0, 0, 1, 1], [], []>, transpose_lhs_hint = false} : vector<256x1024xf32>, vector<1024x768xf32>, vector<256x768xf32> -> vector<256x768xf32>
    %get3A_23 = arith.constant 0 : index
    %get3A_24 = arith.constant 0 : index
    %get3A_25 = arith.constant 0 : index
    %get3A_26 = vector.load %arg7[%get3A_23, %get3A_24, %get3A_25] : memref<1x1x768xf32, #tpu.memory_space<vmem>>, vector<1x1x768xf32>
    %get3A_27 = vector.shape_cast %get3A_26 : vector<1x1x768xf32> to vector<1x768xf32>
    %add3A_28 = vector.broadcast %get3A_27 : vector<1x768xf32> to vector<256x768xf32>
    %add3A_29 = arith.addf %dot_general3A_22, %add3A_28 : vector<256x768xf32>
    %swap3A = arith.constant 0 : index
    %swap3A_30 = arith.constant 0 : index
    %swap3A_31 = vector.load %arg8[%swap3A, %swap3A_30] : memref<256x768xf32, #tpu.memory_space<vmem>>, vector<256x768xf32>
    tpu.vector_store %arg8[%swap3A, %swap3A_30], %add3A_29 {strides = array<i32>} : memref<256x768xf32, #tpu.memory_space<vmem>>, vector<256x768xf32>,
    return
  }
  func.func @transform_0(%arg0: i32, %arg1: memref<24xi32, #tpu.memory_space<smem>>, %arg2: memref<1xi32, #tpu.memory_space<smem>>) -> (i32, i32) {
    %c0_i32 = arith.constant 0 : i32
    %c0_i32_0 = arith.constant 0 : i32
    return %arg0, %c0_i32 : i32, i32
  }
  func.func @transform_1(%arg0: i32, %arg1: memref<24xi32, #tpu.memory_space<smem>>, %arg2: memref<1xi32, #tpu.memory_space<smem>>) -> (i32, i32, i32) {
    %get3A = arith.index_cast %arg0 : i32 to index
    %get3A_0 = memref.load %arg1[%get3A] : memref<24xi32, #tpu.memory_space<smem>>
    %c0_i32 = arith.constant 0 : i32
    %c0_i32_1 = arith.constant 0 : i32
    %c0_i32_2 = arith.constant 0 : i32
    return %get3A_0, %c0_i32, %c0_i32_1 : i32, i32, i32
  }
  func.func @transform_2(%arg0: i32, %arg1: memref<24xi32, #tpu.memory_space<smem>>, %arg2: memref<1xi32, #tpu.memory_space<smem>>) -> (i32, i32, i32) {
    %get3A = arith.index_cast %arg0 : i32 to index
    %get3A_0 = memref.load %arg1[%get3A] : memref<24xi32, #tpu.memory_space<smem>>
    %c0_i32 = arith.constant 0 : i32
    %c0_i32_1 = arith.constant 0 : i32
    %c0_i32_2 = arith.constant 0 : i32
    return %get3A_0, %c0_i32, %c0_i32_1 : i32, i32, i32
  }
  func.func @transform_3(%arg0: i32, %arg1: memref<24xi32, #tpu.memory_space<smem>>, %arg2: memref<1xi32, #tpu.memory_space<smem>>) -> (i32, i32, i32) {
    %get3A = arith.index_cast %arg0 : i32 to index
    %get3A_0 = memref.load %arg1[%get3A] : memref<24xi32, #tpu.memory_space<smem>>
    %c0_i32 = arith.constant 0 : i32
    %c0_i32_1 = arith.constant 0 : i32
    %c0_i32_2 = arith.constant 0 : i32
    return %get3A_0, %c0_i32, %c0_i32_1 : i32, i32, i32
  }
  func.func @transform_4(%arg0: i32, %arg1: memref<24xi32, #tpu.memory_space<smem>>, %arg2: memref<1xi32, #tpu.memory_space<smem>>) -> (i32, i32, i32) {
    %get3A = arith.index_cast %arg0 : i32 to index
    %get3A_0 = memref.load %arg1[%get3A] : memref<24xi32, #tpu.memory_space<smem>>
    %c0_i32 = arith.constant 0 : i32
    %c0_i32_1 = arith.constant 0 : i32
    %c0_i32_2 = arith.constant 0 : i32
    return %get3A_0, %c0_i32, %c0_i32_1 : i32, i32, i32
  }
  func.func @transform_5(%arg0: i32, %arg1: memref<24xi32, #tpu.memory_space<smem>>, %arg2: memref<1xi32, #tpu.memory_space<smem>>) -> (i32, i32) {
    %c0_i32 = arith.constant 0 : i32
    %c0_i32_0 = arith.constant 0 : i32
    return %arg0, %c0_i32 : i32, i32
  }
}

</mosaic_0001>

<sc_bundles>
// kernel: kernel.6.cloned.1.call-start
scs
__scs_entry_jumppad:
0x0: {  	(pc) =	sbr.rel $0x88, $3  }
0x1: {  	(tag) =	ssettag $0x0;
	lr =	simm.s32 $0x1  }
0x2: {  	[smem:$0x3F9A] =	sst lr;
	_ =	strace $0xD0000000  }
0x3: {  	_ = 	snop  }
0x4: {  	_ = 	snop  }
0x5: {  	_ = 	snop  }
0x6: {  	_ = 	snop  }
0x7: {  	_ = 	snop  }
__scs_overlays_trampoline_lowered:
0x8: {  	[smem:$0x3FA9] =	sst s0  }
0x9: {  	[smem:$0x3FAA] =	sst s1  }
0xa: {  	[smem:$0x3FAB] =	sst s2  }
0xb: {  	[smem:$0x3FAC] =	sst s3  }
0xc: {  	[smem:$0x3FAD] =	sst s4  }
0xd: {  	[smem:$0x3FAE] =	sst s5  }
0xe: {  	[smem:$0x3FAF] =	sst s6  }
0xf: {  	[smem:$0x3FB0] =	sst s7  }
0x10: {  	[smem:$0x3FB1] =	sst s8  }
0x11: {  	[smem:$0x3FB2] =	sst s9;
	s0 =	simm.s32 @!p0 $0x0  }
0x12: {  	s1 =	sld [smem:$0x3F98];
	s0 =	simm.s32 @p0 $0x1  }
0x13: {  	[smem:$0x3FB3] =	sst s0;
	s0 =	simm.s32 @!p1 $0x0  }
0x14: {  	s2 =	sld [smem:$0x3F97];
	s0 =	simm.s32 @p1 $0x1  }
0x15: {  	[smem:$0x3FB4] =	sst s0;
	s0 =	simm.s32 @!p2 $0x0  }
0x16: {  	s3 =	sld [smem:$0x3FDB];
	s0 =	simm.s32 @p2 $0x1  }
0x17: {  	s4 =	simm.s32 $0x1BF5;
	[smem:$0x3FB6] =	sst s0  }
0x18: {  	s0 =	sld [smem:$0x3F99];
	_ =	swait.ge [sflag:s4], $0x0  }
0x19: {  	s7 =	sld [smem:$0x3F9A]  }
0x1a: {  	s8 =	sadd.s32 $0xFFFFE003, lr  }
0x1b: {  	s9 =	sadd.s32 $0xFFFFFEF7, lr;
	s5 =	simm.s32 $0xFFFFFFFF;
	p2 =	slt.u32 s8, $0xFFFFF086  }
0x1c: {  	p1 =	slt.u32 s9, $0xF7A;
	s5 =	simm.s32 @!p2 $0x0  }
0x1d: {  	s5 =	simm.s32 @p1 $0x1;
	p0 =	seq.s32 s7, s2  }
0x1e: {  	s7 =	smul.u32 @!p0 $0xF7A, s2;
	p2 =	seq.s32 @!p0 s5, $0x0  }
0x1f: {  	s9 =	smul.u32 $0xF7A, s1;
	s8 =	simm.s32 @!p0 $0x1BF5;
	p2 =	por !p2, p0  }
0x20: {  	[sflag:s8] =	ssyncset.s32 @!p0 $0xFFFFF086;
	s6 =	sadd.s32 @!p0 s3, s7;
	s7 =	simm.s32 @!p0 $0x108  }
0x21: {  	s3 =	sadd.s32 s3, s9;
	s6 =	sadd.s32 @!p0 $0x88, s6;
	s7 =	simm.s32 @p2 $0x1082  }
0x22: {  	[simem:s7], [sflag:s8] =	dma.local @!p0 [hbm:s6], $0xF7A  }
0x23: {  	s9 =	sor.u32 $0xD0000000, s2;
	s6 =	simm.s32 $0x108;
	_ =	swait.ge @!p0 [sflag:s8], $0x0  }
0x24: {  	s3 =	sadd.s32 $0x88, s3;
	s6 =	simm.s32 @!p1 $0x1082;
	[sflag:s4] =	ssyncset.s32 $0xFFFFF086  }
0x25: {  	[simem:s6], [sflag:s4] =	dma.local [hbm:s3], $0xF7A  }
0x26: {  	[smem:$0x3F9A] =	sst s1;
	(tag) =	ssettag s2;
	_ =	strace s9  }
0x27: {  	s1 =	sld [smem:$0x3FAA]  }
0x28: {  	s2 =	sld [smem:$0x3FAB]  }
0x29: {  	s4 =	sld [smem:$0x3FAD]  }
0x2a: {  	p0 =	seq.s32 s5, $0x0;
	s5 =	sld [smem:$0x3FAE]  }
0x2b: {  	s6 =	sld [smem:$0x3FAF]  }
0x2c: {  	s7 =	sld [smem:$0x3FB0]  }
0x2d: {  	s3 =	simm.s32 $0x108;
	s8 =	sld [smem:$0x3FB1]  }
0x2e: {  	s3 =	simm.s32 @!p0 $0x1082;
	s9 =	sld [smem:$0x3FB2]  }
0x2f: {  	lr =	sadd.s32 s0, s3;
	s0 =	sld [smem:$0x3FA9]  }
0x30: {  	s3 =	sld [smem:$0x3FAC]  }
0x31: {  	[smem:$0x3FB5] =	sst s10  }
0x32: {  	s10 =	sld [smem:$0x3FB3];
	_ =	sdelay $0x3  }
0x33: {  	p0 =	seq.s32 s10, $0x1;
	s10 =	sld [smem:$0x3FB5];
	_ =	sdelay $0x3  }
0x34: {  	[smem:$0x3FB5] =	sst s10  }
0x35: {  	s10 =	sld [smem:$0x3FB4];
	_ =	sdelay $0x3  }
0x36: {  	p1 =	seq.s32 s10, $0x1;
	s10 =	sld [smem:$0x3FB5];
	_ =	sdelay $0x3  }
0x37: {  	[smem:$0x3FB5] =	sst s10  }
0x38: {  	s10 =	sld [smem:$0x3FB6]  }
0x39: {  	_ = 	snop;
	(pc) =	sbr.ind lr, $3  }
0x3a: {  	_ = 	snop  }
0x3b: {  	_ = 	snop  }
0x3c: {  	p2 =	seq.s32 s10, $0x1;
	s10 =	sld [smem:$0x3FB5]  }
0x3d: {  	_ =	shalt  }
0x3e: {  	_ =	shalt  }
0x3f: {  	_ =	shalt  }
0x40: {  	_ =	shalt  }
0x41: {  	_ =	shalt  }
0x42: {  	_ =	shalt  }
0x43: {  	_ =	shalt  }
0x44: {  	_ =	shalt  }
0x45: {  	_ =	shalt  }
0x46: {  	_ =	shalt  }
0x47: {  	_ =	shalt  }
0x48: {  	_ =	shalt  }
0x49: {  	_ =	shalt  }
0x4a: {  	_ =	shalt  }
0x4b: {  	_ =	shalt  }
0x4c: {  	_ =	shalt  }
0x4d: {  	_ =	shalt  }
0x4e: {  	_ =	shalt  }
0x4f: {  	_ =	shalt  }
0x50: {  	_ =	shalt  }
0x51: {  	_ =	shalt  }
0x52: {  	_ =	shalt  }
0x53: {  	_ =	shalt  }
0x54: {  	_ =	shalt  }
0x55: {  	_ =	shalt  }
0x56: {  	_ =	shalt  }
0x57: {  	_ =	shalt  }
0x58: {  	_ =	shalt  }
0x59: {  	_ =	shalt  }
0x5a: {  	_ =	shalt  }
0x5b: {  	_ =	shalt  }
0x5c: {  	_ =	shalt  }
0x5d: {  	_ =	shalt  }
0x5e: {  	_ =	shalt  }
0x5f: {  	_ =	shalt  }
0x60: {  	_ =	shalt  }
0x61: {  	_ =	shalt  }
0x62: {  	_ =	shalt  }
0x63: {  	_ =	shalt  }
0x64: {  	_ =	shalt  }
0x65: {  	_ =	shalt  }
0x66: {  	_ =	shalt  }
0x67: {  	_ =	shalt  }
0x68: {  	_ =	shalt  }
0x69: {  	_ =	shalt  }
0x6a: {  	_ =	shalt  }
0x6b: {  	_ =	shalt  }
0x6c: {  	_ =	shalt  }
0x6d: {  	_ =	shalt  }
0x6e: {  	_ =	shalt  }
0x6f: {  	_ =	shalt  }
0x70: {  	_ =	shalt  }
0x71: {  	_ =	shalt  }
0x72: {  	_ =	shalt  }
0x73: {  	_ =	shalt  }
0x74: {  	_ =	shalt  }
0x75: {  	_ =	shalt  }
0x76: {  	_ =	shalt  }
0x77: {  	_ =	shalt  }
0x78: {  	_ =	shalt  }
0x79: {  	_ =	shalt  }
0x7a: {  	_ =	shalt  }
0x7b: {  	_ =	shalt  }
0x7c: {  	_ =	shalt  }
0x7d: {  	_ =	shalt  }
0x7e: {  	_ =	shalt  }
0x7f: {  	_ =	shalt  }
0x80: {  	_ =	shalt  }
0x81: {  	_ =	shalt  }
0x82: {  	_ =	shalt  }
0x83: {  	_ =	shalt  }
0x84: {  	_ =	shalt  }
0x85: {  	_ =	shalt  }
0x86: {  	_ =	shalt  }
0x87: {  	_ =	shalt  }
.Lfunc_end0:
.L_simem_size_0:
called_computation_lowered:
.L_overlay_start_0:
0x88: {  	s2 =	sld [smem:$0x3FD9]  }
0x89: {  	s3 =	sld [smem:$0x3FFE];
	_ =	sdelay $0x1  }
0x8a: {  	s1 =	srdreg.scid  }
0x8b: {  	s0 =	sand.u32 $0x1, s1  }
0x8c: {  	s17 =	sshll.u32 s0, $0xA;
	s2 =	sadd.s32 s3, s2  }
0x8d: {  	s2 =	sadd.s32 s2, s17  }
0x8e: {  	[smem:$0x3FC1] =	sst s2  }
0x8f: {  	_ = 	snop  }
0x90: {  	s2 =	sld [smem:$0x3FD0];
	(tm) =	ssettm $0x1  }
0x91: {  	s18 =	sld [smem:$0x3FFB];
	_ =	sdelay $0x3  }
0x92: {  	_ =	strace s18  }
0x93: {  	s3 =	sld [smem:$0x3FFC];
	_ =	sdelay $0x3  }
0x94: {  	_ =	strace s3  }
0x95: {  	s3 =	sld [smem:$0x3FFD];
	_ =	sdelay $0x3  }
0x96: {  	_ =	strace s3  }
0x97: {  	_ =	strace $0x8FFFFFFF  }
0x98: {  	s19 =	sld [smem:$0x3FDB];
	_ =	sdelay $0x1  }
0x99: {  	s4 =	simm.s32 $_scs_section_size  }
0x9a: {  	s5 =	simm.s32 $_size__tile_overlayer_lowered;
	s6 =	simm.s32 $_tile_overlayer_lowered  }
0x9b: {  	s22 =	simm.s32 $0x1BFF;
	s21 =	sshll.u32 s6, $0x1;
	s3 =	sadd.s32 s4, s19  }
0x9c: {  	s7 =	simm.s32 $0x0;
	s20 =	sshll.u32 s5, $0x1;
	s5 =	sadd.s32 s21, s3  }
0x9d: {  	[timem:s7], [sflag:s22] =	dma.local [hbm:s5], s20  }
0x9e: {  	_ =	swait.ge [sflag:s22], s20  }
0x9f: {  	s4 =	ssub.s32 $0x0, s20;
	[sflag:s22] =	ssyncset.done $0x0  }
0xa0: {  	[sflag:s22] =	ssyncadd.s32 s4;
	_ =	sdelay $0x1  }
0xa1: {  	s23 =	simm.s32 $0x1B8B  }
0xa2: {  	_ =	swait.ge [sflag:s23], $0x1  }
0xa3: {  	[sflag:s23] =	ssyncset.done $0x0  }
0xa4: {  	s25 =	simm.s32 $0x1B8E;
	s24 =	sld [smem:$0x3FFE];
	[sflag:s23] =	ssyncadd.s32 $0xFFFFFFFF  }
0xa5: {  	s26 =	simm.s32 $execute0_lowered;
	[smem:$0x3FD2] =	sst s25  }
0xa6: {  	s5 =	sshll.u32 s26, $0x1;
	_ =	strace $0x80000046;
	[dreg:$0x1] =	wrdreg $0xFFFFFFFF  }
0xa7: {  	s28 =	simm.s32 $_size_execute0_lowered;
	s3 =	sadd.s32 s3, s5;
	[dreg:$0x0] =	wrdreg $0x0  }
0xa8: {  	s5 =	sshll.u32 s28, $0x1;
	[dreg:$0x2] =	wrdreg s3  }
0xa9: {  	[dreg:$0x3] =	wrdreg s5  }
0xaa: {  	[dreg:$0x4] =	wrdreg $0xC0  }
0xab: {  	_ =	task [dreg:s7], $0x5FFFF  }
0xac: {  	[dreg:$0x1] =	wrdreg $0xFFFFFFFF  }
0xad: {  	[dreg:$0x0] =	wrdreg $0x60  }
0xae: {  	[dreg:$0x2] =	wrdreg s2  }
0xaf: {  	[dreg:$0x3] =	wrdreg s24  }
0xb0: {  	[dreg:$0x4] =	wrdreg $0x9  }
0xb1: {  	_ =	task.clear_ibuf [dreg:s7], $0x5FFFF;
	_ =	strace $0x90000046  }
0xb2: {  	s29 =	simm.s32 $0x9;
	_ =	strace $0x80000048  }
0xb3: {  	_ =	swait.ge [sflag:s29], $0x1  }
0xb4: {  	[sflag:s29] =	ssyncadd.s32 $0xFFFFFFFF  }
0xb5: {  	_ =	strace $0x90000048  }
0xb6: {  	_ =	sfence  }
0xb7: {  	s30 =	sld [smem:$0x0];
	_ =	sdelay $0x2  }
0xb8: {  	s31 =	sshll.u32 s1, $0xD;
	s1 =	sshrl.u32 s1, $0x2  }
0xb9: {  	s3 =	sand.u32 $0x4000, s31;
	s1 =	sadd.s32 s1, s30  }
0xba: {  	s0 =	sor.u32 s3, s0;
	s1 =	sshll.u32 s1, $0x11  }
0xbb: {  	s0 =	sor.u32 s1, s0  }
0xbc: {  	s0 =	sadd.s32 $0x8F2B, s0  }
0xbd: {  	[sflag:s0] =	ssyncadd.remote.s32 $0x1  }
0xbe: {  	_ =	sfence.sel $0xFFFF  }
0xbf: {  	[dreg:$0x0] =	wrdreg $0xFFFFFFFF;
	(pc) =	sbr.abs _section_cstart, $3  }
0xc0: {  	[dreg:$0x1] =	wrdreg $0xFFFFFFFF  }
0xc1: {  	_ =	task.clear_ibuf [dreg:s7], $0x2FFFF;
	_ =	strace $0x9FFFFFFF  }
0xc2: {  	(tm) =	ssettm $0x7FFFFFFF  }
0xc3: {  	_ =	shalt  }
tec
execute0_lowered:
.L_overlay_start_1:
0x0: {  	(tag) =	ssettag $0x1  }
0x1: {  	s1 =	srdreg.scid;
	s5 =	rddreg [dreg:$0x0]  }
0x2: {  	s0 =	stileid.u32;
	s6 =	rddreg [dreg:$0x1]  }
0x3: {  	s26 =	simm.s32 $0x880;
	s10 =	simm.s32 $0x1080;
	s11 =	simm.s32 $0x1880  }
0x4: {  	s12 =	simm.s32 $0x2080;
	s13 =	simm.s32 $0x2880;
	s14 =	simm.s32 $0x3080  }
0x5: {  	s15 =	simm.s32 $0x3880;
	s16 =	simm.s32 $0x4080;
	s17 =	simm.s32 $0x4880  }
0x6: {  	s18 =	simm.s32 $0x5080;
	s19 =	simm.s32 $0x5880;
	s20 =	simm.s32 $0x6080  }
0x7: {  	s21 =	simm.s32 $0x6880;
	s22 =	simm.s32 $0x7080;
	s23 =	simm.s32 $0x7880  }
0x8: {  	s24 =	simm.s32 $0x8080;
	s25 =	simm.s32 $0x8880;
	s28 =	simm.s32 $0x9880  }
0x9: {  	s29 =	simm.s32 $0xA080;
	s1 =	sand.u32 $0x1, s1;
	s2 =	sshll.u32 s0, $0x1  }
0xa: {  	s30 =	simm.s32 $0xA880;
	s31 =	simm.s32 $0xB080;
	s4 =	sor.u32 s1, s2  }
0xb: {  	p1 =	seq.s32 s1, $0x1;
	s2 =	simm.s32 $0x1;
	p0 =	seq.s32 s4, $0x0  }
0xc: {  	s7 =	sshll.u32 s1, $0x6;
	s1 =	ssub.s32 $0x2, s1;
	p0 =	por !p0, !p1  }
0xd: {  	s8 =	smul.u32 $0x1800, s4;
	s9 =	sshrl.u32 s1, $0x1;
	p0 =	por !p0, !p0  }
0xe: {  	s4 =	sadd.s32 $0x1600, s6;
	s1 =	ssub.s32 s1, s9;
	s2 =	simm.s32 @!p0 $0x0  }
0xf: {  	s9 =	simm.s32 $0x80;
	s3 =	ssub.s32 s0, s2;
	s2 =	simm.s32 $0x0  }
0x10: {  	s5 =	sadd.s32 s5, s8;
	s3 =	sshll.u32 s3, $0x7;
	[smem:$0x7FF] =	sst s2  }
0x11: {  	s8 =	simm.s32 $0x2;
	s7 =	sor.u32 s7, s3;
	_ =	strace $0x80000047  }
0x12: {  	s3 =	simm.s32 $0x1;
	[dreg:$0x4] =	wrdreg s5;
	s7 =	sshrl.u32 s7, $0x3  }
0x13: {  	v2 =	vlaneseq.u32;
	s5 =	sadd.s32 $0x1700, s6;
	[dreg:$0x5] =	wrdreg s26;
	s7 =	sadd.s32 s7, s6  }
0x14: {  	vm0 =	vmmov $0xffff;
	v1 =	vshrl.u32 v2, $0x3;
	s26 =	simm.s32 $0x9080;
	s6 =	sadd.s32 $0x1800, s6;
	s7 =	sadd.s32 $0x1400, s7  }
0x15: {  	v0 =	vand.u32 $0x7, v2;
	v2 =	vor.u32 $0x8, v2;
	v1 =	vmul.u32 $0x8, v1;
	[dreg:$0x3] =	wrdreg s7;
	s7 =	smax.u32 s1, $0x1;
	s1 =	simm.s32 $0xB880  }
.LBB2_1:
0x16: {  	s0 =	rddreg [dreg:$0x3]  }
0x17: {  	[tilespmem:s2], [sflag:$0x2] =	stream.linear.gather [hbm4b:s0+s2], $0x40, $0x38;
	[tilespmem:$0xC080] =	vst v63  }
0x18: {  	_ =	swait.ge [sflag:s8], $0x40  }
0x19: {  	[sflag:s8] =	ssyncset.done $0x0  }
0x1a: {  	s0 =	rddreg [dreg:$0x4];
	[sflag:s8] =	ssyncadd.s32 $0xFFFFFFC0  }
0x1b: {  	[tilespmem:s9], [sflag:$0x2] =	stream.linear.gather [hbm4b:s0+s2], $0xC000, $0x38;
	[tilespmem:$0xC080] =	vst v63  }
0x1c: {  	_ =	swait.ge [sflag:s8], $0xC000  }
0x1d: {  	[sflag:s8] =	ssyncset.done $0x0  }
0x1e: {  	[sflag:s8] =	ssyncadd.s32 $0xFFFF4000  }
0x1f: {  	v3 =	vld [tilespmem:$0x0];
	_ =	sdelay $0x4  }
0x20: {  	v4 =	vshrl.u32 v3, $0x3  }
0x21: {  	v4 =	vmul.u32 $0x30, v4  }
0x22: {  	v3 =	vand.u32 $0x7, v3  }
0x23: {  	v3 =	vor.u32 v3, v4  }
0x24: {  	v4 =	vperm.xlane v3, v0;
	_ =	sdelay $0x1  }
0x25: {  	v4 =	vadd.s32 v1, v4;
	_ =	sdelay $0x3  }
0x26: {  	v3 =	vperm.xlane v3, v2  }
0x27: {  	[hbm4b:s4+s2] =	stream.indirect_vreg.scatter [tilespmem:s9], [sflag:$0x1], $0x80, v4, vm0, $0xb8;
	[tilespmem:$0xC080] =	vst v63  }
0x28: {  	s0 =	rddreg [dreg:$0x5];
	v3 =	vadd.s32 v1, v3  }
0x29: {  	[hbm4b:s5+s2] =	stream.indirect_vreg.scatter [tilespmem:s0], [sflag:$0x1], $0x80, v4, vm0, $0xb8;
	[tilespmem:$0xC080] =	vst v63  }
0x2a: {  	_ = 	snop  }
0x2b: {  	[hbm4b:s6+s2] =	stream.indirect_vreg.scatter [tilespmem:s10], [sflag:$0x1], $0x80, v4, vm0, $0xb8;
	[tilespmem:$0xC080] =	vst v63  }
0x2c: {  	_ = 	snop  }
0x2d: {  	[hbm4b:s4+s2] =	stream.indirect_vreg.scatter [tilespmem:s11], [sflag:$0x1], $0x80, v3, vm0, $0xb8;
	[tilespmem:$0xC080] =	vst v63  }
0x2e: {  	_ = 	snop  }
0x2f: {  	[hbm4b:s5+s2] =	stream.indirect_vreg.scatter [tilespmem:s12], [sflag:$0x1], $0x80, v3, vm0, $0xb8;
	[tilespmem:$0xC080] =	vst v63  }
0x30: {  	_ = 	snop  }
0x31: {  	[hbm4b:s6+s2] =	stream.indirect_vreg.scatter [tilespmem:s13], [sflag:$0x1], $0x80, v3, vm0, $0xb8;
	[tilespmem:$0xC080] =	vst v63  }
0x32: {  	v3 =	vld [tilespmem:$0x10];
	_ =	sdelay $0x4  }
0x33: {  	v61 =	vshrl.u32 v3, $0x3  }
0x34: {  	v4 =	vmul.u32 $0x30, v61  }
0x35: {  	v3 =	vand.u32 $0x7, v3  }
0x36: {  	v3 =	vor.u32 v3, v4  }
0x37: {  	v4 =	vperm.xlane v3, v0;
	_ =	sdelay $0x1  }
0x38: {  	v4 =	vadd.s32 v1, v4;
	_ =	sdelay $0x3  }
0x39: {  	v3 =	vperm.xlane v3, v2  }
0x3a: {  	[hbm4b:s4+s2] =	stream.indirect_vreg.scatter [tilespmem:s14], [sflag:$0x1], $0x80, v4, vm0, $0xb8;
	[tilespmem:$0xC080] =	vst v63  }
0x3b: {  	v3 =	vadd.s32 v1, v3  }
0x3c: {  	[hbm4b:s5+s2] =	stream.indirect_vreg.scatter [tilespmem:s15], [sflag:$0x1], $0x80, v4, vm0, $0xb8;
	[tilespmem:$0xC080] =	vst v63  }
0x3d: {  	_ = 	snop  }
0x3e: {  	[hbm4b:s6+s2] =	stream.indirect_vreg.scatter [tilespmem:s16], [sflag:$0x1], $0x80, v4, vm0, $0xb8;
	[tilespmem:$0xC080] =	vst v63  }
0x3f: {  	_ = 	snop  }
0x40: {  	[hbm4b:s4+s2] =	stream.indirect_vreg.scatter [tilespmem:s17], [sflag:$0x1], $0x80, v3, vm0, $0xb8;
	[tilespmem:$0xC080] =	vst v63  }
0x41: {  	_ = 	snop  }
0x42: {  	[hbm4b:s5+s2] =	stream.indirect_vreg.scatter [tilespmem:s18], [sflag:$0x1], $0x80, v3, vm0, $0xb8;
	[tilespmem:$0xC080] =	vst v63  }
0x43: {  	_ = 	snop  }
0x44: {  	[hbm4b:s6+s2] =	stream.indirect_vreg.scatter [tilespmem:s19], [sflag:$0x1], $0x80, v3, vm0, $0xb8;
	[tilespmem:$0xC080] =	vst v63  }
0x45: {  	v3 =	vld [tilespmem:$0x20];
	_ =	sdelay $0x4  }
0x46: {  	v62 =	vshrl.u32 v3, $0x3  }
0x47: {  	v4 =	vmul.u32 $0x30, v62  }
0x48: {  	v3 =	vand.u32 $0x7, v3  }
0x49: {  	v3 =	vor.u32 v3, v4  }
0x4a: {  	v4 =	vperm.xlane v3, v0;
	_ =	sdelay $0x1  }
0x4b: {  	v4 =	vadd.s32 v1, v4;
	_ =	sdelay $0x3  }
0x4c: {  	v3 =	vperm.xlane v3, v2  }
0x4d: {  	[hbm4b:s4+s2] =	stream.indirect_vreg.scatter [tilespmem:s20], [sflag:$0x1], $0x80, v4, vm0, $0xb8;
	[tilespmem:$0xC080] =	vst v63  }
0x4e: {  	v3 =	vadd.s32 v1, v3  }
0x4f: {  	[hbm4b:s5+s2] =	stream.indirect_vreg.scatter [tilespmem:s21], [sflag:$0x1], $0x80, v4, vm0, $0xb8;
	[tilespmem:$0xC080] =	vst v63  }
0x50: {  	_ = 	snop  }
0x51: {  	[hbm4b:s6+s2] =	stream.indirect_vreg.scatter [tilespmem:s22], [sflag:$0x1], $0x80, v4, vm0, $0xb8;
	[tilespmem:$0xC080] =	vst v63  }
0x52: {  	_ = 	snop  }
0x53: {  	[hbm4b:s4+s2] =	stream.indirect_vreg.scatter [tilespmem:s23], [sflag:$0x1], $0x80, v3, vm0, $0xb8;
	[tilespmem:$0xC080] =	vst v63  }
0x54: {  	_ = 	snop  }
0x55: {  	[hbm4b:s5+s2] =	stream.indirect_vreg.scatter [tilespmem:s24], [sflag:$0x1], $0x80, v3, vm0, $0xb8;
	[tilespmem:$0xC080] =	vst v63  }
0x56: {  	_ = 	snop  }
0x57: {  	[hbm4b:s6+s2] =	stream.indirect_vreg.scatter [tilespmem:s25], [sflag:$0x1], $0x80, v3, vm0, $0xb8;
	[tilespmem:$0xC080] =	vst v63  }
0x58: {  	v3 =	vld [tilespmem:$0x30];
	_ =	sdelay $0x4  }
0x59: {  	v63 =	vshrl.u32 v3, $0x3  }
0x5a: {  	v4 =	vmul.u32 $0x30, v63  }
0x5b: {  	v3 =	vand.u32 $0x7, v3  }
0x5c: {  	v3 =	vor.u32 v3, v4  }
0x5d: {  	v4 =	vperm.xlane v3, v0;
	_ =	sdelay $0x1  }
0x5e: {  	v4 =	vadd.s32 v1, v4;
	_ =	sdelay $0x3  }
0x5f: {  	v3 =	vperm.xlane v3, v2  }
0x60: {  	[hbm4b:s4+s2] =	stream.indirect_vreg.scatter [tilespmem:s26], [sflag:$0x1], $0x80, v4, vm0, $0xb8;
	[tilespmem:$0xC080] =	vst v63  }
0x61: {  	v3 =	vadd.s32 v1, v3  }
0x62: {  	[hbm4b:s5+s2] =	stream.indirect_vreg.scatter [tilespmem:s28], [sflag:$0x1], $0x80, v4, vm0, $0xb8;
	[tilespmem:$0xC080] =	vst v63  }
0x63: {  	_ = 	snop  }
0x64: {  	[hbm4b:s6+s2] =	stream.indirect_vreg.scatter [tilespmem:s29], [sflag:$0x1], $0x80, v4, vm0, $0xb8;
	[tilespmem:$0xC080] =	vst v63  }
0x65: {  	_ = 	snop  }
0x66: {  	[hbm4b:s4+s2] =	stream.indirect_vreg.scatter [tilespmem:s30], [sflag:$0x1], $0x80, v3, vm0, $0xb8;
	[tilespmem:$0xC080] =	vst v63  }
0x67: {  	p0 =	sne.s32 s7, $0x1  }
0x68: {  	[hbm4b:s5+s2] =	stream.indirect_vreg.scatter [tilespmem:s31], [sflag:$0x1], $0x80, v3, vm0, $0xb8;
	[tilespmem:$0xC080] =	vst v63  }
.Ltmp0:
0x69: {  	_ = 	snop;
	(pc) =	sbr.rel @p0 .LBB2_1-.Ltmp0, $4  }
0x6a: {  	[hbm4b:s6+s2] =	stream.indirect_vreg.scatter [tilespmem:s1], [sflag:$0x1], $0x80, v3, vm0, $0xb8;
	[tilespmem:$0xC080] =	vst v63  }
0x6b: {  	_ =	swait.ge [sflag:s3], $0xC000  }
0x6c: {  	[sflag:s3] =	ssyncset.done $0x0  }
0x6d: {  	s7 =	sadd.s32 $0xFFFFFFFF, s7;
	[sflag:s3] =	ssyncadd.s32 $0xFFFF4000  }
0x6e: {  	_ =	sfence.sel $0x180000  }
0x6f: {  	[bflag:$0x0] =	sbarrier.arrive $0xFFFF  }
0x70: {  	_ =	strace $0x90000047  }
0x71: {  	s0 =	stileid.u32;
	[bflag:$0x2] =	sbarrier.arrive $0xFFFF  }
0x72: {  	p0 =	sne.s32 s0, $0x0;
	s0 =	rddreg [dreg:$0x2]  }
0x73: {  	s0 =	sadd.s32 @!p0 $0x100000, s0  }
0x74: {  	[sflag:s0] =	ssyncadd.tile.s32 @!p0 $0x1;
	_ =	shalt  }
.Lfunc_end2:
_tile_overlayer_lowered:
.L_overlay_start_2:
0x75: {  	(tag) =	ssettag $0x2  }
0x76: {  	s0 =	rddreg [dreg:$0x0];
	s2 =	stileid.u32  }
0x77: {  	s1 =	rddreg [dreg:$0x1];
	p0 =	sne.s32 s2, $0x0  }
0x78: {  	s3 =	rddreg [dreg:$0x2];
	[bflag:$0x3] =	sbarrier.arrive $0xFFFF;
	s2 =	simm.s32 @!p0 $0x1C02  }
0x79: {  	[timem:s3], [sflag:s2] =	dma.local @!p0 [hbm:s0], s1  }
0x7a: {  	s0 =	simm.s32 @!p0 $0x2  }
0x7b: {  	_ =	swait.ge @!p0 [sflag:s0], s1  }
0x7c: {  	s1 =	ssub.s32 @!p0 $0x0, s1;
	[sflag:s0] =	ssyncset.done @!p0 $0x0  }
0x7d: {  	[sflag:s0] =	ssyncadd.s32 @!p0 s1  }
0x7e: {  	[bflag:$0x3] =	sbarrier.arrive $0xFFFF  }
0x7f: {  	_ =	shalt  }

// kernel: kernel.9.cloned.1.call-start
scs
__scs_entry_jumppad:
0x0: {  	(pc) =	sbr.rel $0x88, $3  }
0x1: {  	(tag) =	ssettag $0x0;
	lr =	simm.s32 $0x1  }
0x2: {  	[smem:$0x3F9A] =	sst lr;
	_ =	strace $0xD0000000  }
0x3: {  	_ = 	snop  }
0x4: {  	_ = 	snop  }
0x5: {  	_ = 	snop  }
0x6: {  	_ = 	snop  }
0x7: {  	_ = 	snop  }
__scs_overlays_trampoline_lowered:
0x8: {  	[smem:$0x3FA9] =	sst s0  }
0x9: {  	[smem:$0x3FAA] =	sst s1  }
0xa: {  	[smem:$0x3FAB] =	sst s2  }
0xb: {  	[smem:$0x3FAC] =	sst s3  }
0xc: {  	[smem:$0x3FAD] =	sst s4  }
0xd: {  	[smem:$0x3FAE] =	sst s5  }
0xe: {  	[smem:$0x3FAF] =	sst s6  }
0xf: {  	[smem:$0x3FB0] =	sst s7  }
0x10: {  	[smem:$0x3FB1] =	sst s8  }
0x11: {  	[smem:$0x3FB2] =	sst s9;
	s0 =	simm.s32 @!p0 $0x0  }
0x12: {  	s1 =	sld [smem:$0x3F98];
	s0 =	simm.s32 @p0 $0x1  }
0x13: {  	[smem:$0x3FB3] =	sst s0;
	s0 =	simm.s32 @!p1 $0x0  }
0x14: {  	s2 =	sld [smem:$0x3F97];
	s0 =	simm.s32 @p1 $0x1  }
0x15: {  	[smem:$0x3FB4] =	sst s0;
	s0 =	simm.s32 @!p2 $0x0  }
0x16: {  	s3 =	sld [smem:$0x3FDB];
	s0 =	simm.s32 @p2 $0x1  }
0x17: {  	s4 =	simm.s32 $0x1BF5;
	[smem:$0x3FB6] =	sst s0  }
0x18: {  	s0 =	sld [smem:$0x3F99];
	_ =	swait.ge [sflag:s4], $0x0  }
0x19: {  	s7 =	sld [smem:$0x3F9A]  }
0x1a: {  	s8 =	sadd.s32 $0xFFFFE003, lr  }
0x1b: {  	s9 =	sadd.s32 $0xFFFFFEF7, lr;
	s5 =	simm.s32 $0xFFFFFFFF;
	p2 =	slt.u32 s8, $0xFFFFF086  }
0x1c: {  	p1 =	slt.u32 s9, $0xF7A;
	s5 =	simm.s32 @!p2 $0x0  }
0x1d: {  	s5 =	simm.s32 @p1 $0x1;
	p0 =	seq.s32 s7, s2  }
0x1e: {  	s7 =	smul.u32 @!p0 $0xF7A, s2;
	p2 =	seq.s32 @!p0 s5, $0x0  }
0x1f: {  	s9 =	smul.u32 $0xF7A, s1;
	s8 =	simm.s32 @!p0 $0x1BF5;
	p2 =	por !p2, p0  }
0x20: {  	[sflag:s8] =	ssyncset.s32 @!p0 $0xFFFFF086;
	s6 =	sadd.s32 @!p0 s3, s7;
	s7 =	simm.s32 @!p0 $0x108  }
0x21: {  	s3 =	sadd.s32 s3, s9;
	s6 =	sadd.s32 @!p0 $0x88, s6;
	s7 =	simm.s32 @p2 $0x1082  }
0x22: {  	[simem:s7], [sflag:s8] =	dma.local @!p0 [hbm:s6], $0xF7A  }
0x23: {  	s9 =	sor.u32 $0xD0000000, s2;
	s6 =	simm.s32 $0x108;
	_ =	swait.ge @!p0 [sflag:s8], $0x0  }
0x24: {  	s3 =	sadd.s32 $0x88, s3;
	s6 =	simm.s32 @!p1 $0x1082;
	[sflag:s4] =	ssyncset.s32 $0xFFFFF086  }
0x25: {  	[simem:s6], [sflag:s4] =	dma.local [hbm:s3], $0xF7A  }
0x26: {  	[smem:$0x3F9A] =	sst s1;
	(tag) =	ssettag s2;
	_ =	strace s9  }
0x27: {  	s1 =	sld [smem:$0x3FAA]  }
0x28: {  	s2 =	sld [smem:$0x3FAB]  }
0x29: {  	s4 =	sld [smem:$0x3FAD]  }
0x2a: {  	p0 =	seq.s32 s5, $0x0;
	s5 =	sld [smem:$0x3FAE]  }
0x2b: {  	s6 =	sld [smem:$0x3FAF]  }
0x2c: {  	s7 =	sld [smem:$0x3FB0]  }
0x2d: {  	s3 =	simm.s32 $0x108;
	s8 =	sld [smem:$0x3FB1]  }
0x2e: {  	s3 =	simm.s32 @!p0 $0x1082;
	s9 =	sld [smem:$0x3FB2]  }
0x2f: {  	lr =	sadd.s32 s0, s3;
	s0 =	sld [smem:$0x3FA9]  }
0x30: {  	s3 =	sld [smem:$0x3FAC]  }
0x31: {  	[smem:$0x3FB5] =	sst s10  }
0x32: {  	s10 =	sld [smem:$0x3FB3];
	_ =	sdelay $0x3  }
0x33: {  	p0 =	seq.s32 s10, $0x1;
	s10 =	sld [smem:$0x3FB5];
	_ =	sdelay $0x3  }
0x34: {  	[smem:$0x3FB5] =	sst s10  }
0x35: {  	s10 =	sld [smem:$0x3FB4];
	_ =	sdelay $0x3  }
0x36: {  	p1 =	seq.s32 s10, $0x1;
	s10 =	sld [smem:$0x3FB5];
	_ =	sdelay $0x3  }
0x37: {  	[smem:$0x3FB5] =	sst s10  }
0x38: {  	s10 =	sld [smem:$0x3FB6]  }
0x39: {  	_ = 	snop;
	(pc) =	sbr.ind lr, $3  }
0x3a: {  	_ = 	snop  }
0x3b: {  	_ = 	snop  }
0x3c: {  	p2 =	seq.s32 s10, $0x1;
	s10 =	sld [smem:$0x3FB5]  }
0x3d: {  	_ =	shalt  }
0x3e: {  	_ =	shalt  }
0x3f: {  	_ =	shalt  }
0x40: {  	_ =	shalt  }
0x41: {  	_ =	shalt  }
0x42: {  	_ =	shalt  }
0x43: {  	_ =	shalt  }
0x44: {  	_ =	shalt  }
0x45: {  	_ =	shalt  }
0x46: {  	_ =	shalt  }
0x47: {  	_ =	shalt  }
0x48: {  	_ =	shalt  }
0x49: {  	_ =	shalt  }
0x4a: {  	_ =	shalt  }
0x4b: {  	_ =	shalt  }
0x4c: {  	_ =	shalt  }
0x4d: {  	_ =	shalt  }
0x4e: {  	_ =	shalt  }
0x4f: {  	_ =	shalt  }
0x50: {  	_ =	shalt  }
0x51: {  	_ =	shalt  }
0x52: {  	_ =	shalt  }
0x53: {  	_ =	shalt  }
0x54: {  	_ =	shalt  }
0x55: {  	_ =	shalt  }
0x56: {  	_ =	shalt  }
0x57: {  	_ =	shalt  }
0x58: {  	_ =	shalt  }
0x59: {  	_ =	shalt  }
0x5a: {  	_ =	shalt  }
0x5b: {  	_ =	shalt  }
0x5c: {  	_ =	shalt  }
0x5d: {  	_ =	shalt  }
0x5e: {  	_ =	shalt  }
0x5f: {  	_ =	shalt  }
0x60: {  	_ =	shalt  }
0x61: {  	_ =	shalt  }
0x62: {  	_ =	shalt  }
0x63: {  	_ =	shalt  }
0x64: {  	_ =	shalt  }
0x65: {  	_ =	shalt  }
0x66: {  	_ =	shalt  }
0x67: {  	_ =	shalt  }
0x68: {  	_ =	shalt  }
0x69: {  	_ =	shalt  }
0x6a: {  	_ =	shalt  }
0x6b: {  	_ =	shalt  }
0x6c: {  	_ =	shalt  }
0x6d: {  	_ =	shalt  }
0x6e: {  	_ =	shalt  }
0x6f: {  	_ =	shalt  }
0x70: {  	_ =	shalt  }
0x71: {  	_ =	shalt  }
0x72: {  	_ =	shalt  }
0x73: {  	_ =	shalt  }
0x74: {  	_ =	shalt  }
0x75: {  	_ =	shalt  }
0x76: {  	_ =	shalt  }
0x77: {  	_ =	shalt  }
0x78: {  	_ =	shalt  }
0x79: {  	_ =	shalt  }
0x7a: {  	_ =	shalt  }
0x7b: {  	_ =	shalt  }
0x7c: {  	_ =	shalt  }
0x7d: {  	_ =	shalt  }
0x7e: {  	_ =	shalt  }
0x7f: {  	_ =	shalt  }
0x80: {  	_ =	shalt  }
0x81: {  	_ =	shalt  }
0x82: {  	_ =	shalt  }
0x83: {  	_ =	shalt  }
0x84: {  	_ =	shalt  }
0x85: {  	_ =	shalt  }
0x86: {  	_ =	shalt  }
0x87: {  	_ =	shalt  }
.Lfunc_end0:
.L_simem_size_0:
called_computation.1_lowered:
.L_overlay_start_0:
0x88: {  	s2 =	sld [smem:$0x3FD9]  }
0x89: {  	s3 =	sld [smem:$0x3FFE];
	_ =	sdelay $0x1  }
0x8a: {  	s1 =	srdreg.scid  }
0x8b: {  	s0 =	sand.u32 $0x1, s1  }
0x8c: {  	s17 =	sshll.u32 s0, $0xA;
	s2 =	sadd.s32 s3, s2  }
0x8d: {  	s2 =	sadd.s32 s2, s17  }
0x8e: {  	[smem:$0x3FC1] =	sst s2  }
0x8f: {  	_ = 	snop  }
0x90: {  	s2 =	sld [smem:$0x3FD0];
	(tm) =	ssettm $0x1  }
0x91: {  	s18 =	sld [smem:$0x3FFB];
	_ =	sdelay $0x3  }
0x92: {  	_ =	strace s18  }
0x93: {  	s3 =	sld [smem:$0x3FFC];
	_ =	sdelay $0x3  }
0x94: {  	_ =	strace s3  }
0x95: {  	s3 =	sld [smem:$0x3FFD];
	_ =	sdelay $0x3  }
0x96: {  	_ =	strace s3  }
0x97: {  	_ =	strace $0x8FFFFFFF  }
0x98: {  	s19 =	sld [smem:$0x3FDB];
	_ =	sdelay $0x1  }
0x99: {  	s4 =	simm.s32 $_scs_section_size  }
0x9a: {  	s5 =	simm.s32 $_size__tile_overlayer_lowered;
	s6 =	simm.s32 $_tile_overlayer_lowered  }
0x9b: {  	s22 =	simm.s32 $0x1BFF;
	s21 =	sshll.u32 s6, $0x1;
	s3 =	sadd.s32 s4, s19  }
0x9c: {  	s7 =	simm.s32 $0x0;
	s20 =	sshll.u32 s5, $0x1;
	s5 =	sadd.s32 s21, s3  }
0x9d: {  	[timem:s7], [sflag:s22] =	dma.local [hbm:s5], s20  }
0x9e: {  	_ =	swait.ge [sflag:s22], s20  }
0x9f: {  	s4 =	ssub.s32 $0x0, s20;
	[sflag:s22] =	ssyncset.done $0x0  }
0xa0: {  	[sflag:s22] =	ssyncadd.s32 s4;
	_ =	sdelay $0x1  }
0xa1: {  	s23 =	simm.s32 $0x1B8B  }
0xa2: {  	_ =	swait.ge [sflag:s23], $0x1  }
0xa3: {  	[sflag:s23] =	ssyncset.done $0x0  }
0xa4: {  	s25 =	simm.s32 $0x1B8E;
	s24 =	sld [smem:$0x3FFE];
	[sflag:s23] =	ssyncadd.s32 $0xFFFFFFFF  }
0xa5: {  	s26 =	simm.s32 $execute0_lowered;
	[smem:$0x3FD2] =	sst s25  }
0xa6: {  	s5 =	sshll.u32 s26, $0x1;
	_ =	strace $0x80000049;
	[dreg:$0x1] =	wrdreg $0xFFFFFFFF  }
0xa7: {  	s28 =	simm.s32 $_size_execute0_lowered;
	s3 =	sadd.s32 s3, s5;
	[dreg:$0x0] =	wrdreg $0x0  }
0xa8: {  	s5 =	sshll.u32 s28, $0x1;
	[dreg:$0x2] =	wrdreg s3  }
0xa9: {  	[dreg:$0x3] =	wrdreg s5  }
0xaa: {  	[dreg:$0x4] =	wrdreg $0xC0  }
0xab: {  	_ =	task [dreg:s7], $0x5FFFF  }
0xac: {  	[dreg:$0x1] =	wrdreg $0xFFFFFFFF  }
0xad: {  	[dreg:$0x0] =	wrdreg $0x60  }
0xae: {  	[dreg:$0x2] =	wrdreg s24  }
0xaf: {  	[dreg:$0x3] =	wrdreg s2  }
0xb0: {  	[dreg:$0x4] =	wrdreg $0x9  }
0xb1: {  	_ =	task.clear_ibuf [dreg:s7], $0x5FFFF;
	_ =	strace $0x90000049  }
0xb2: {  	s29 =	simm.s32 $0x9;
	_ =	strace $0x8000004B  }
0xb3: {  	_ =	swait.ge [sflag:s29], $0x1  }
0xb4: {  	[sflag:s29] =	ssyncadd.s32 $0xFFFFFFFF  }
0xb5: {  	_ =	strace $0x9000004B  }
0xb6: {  	_ =	sfence  }
0xb7: {  	s30 =	sld [smem:$0x0];
	_ =	sdelay $0x2  }
0xb8: {  	s31 =	sshll.u32 s1, $0xD;
	s1 =	sshrl.u32 s1, $0x2  }
0xb9: {  	s3 =	sand.u32 $0x4000, s31;
	s1 =	sadd.s32 s1, s30  }
0xba: {  	s0 =	sor.u32 s3, s0;
	s1 =	sshll.u32 s1, $0x11  }
0xbb: {  	s0 =	sor.u32 s1, s0  }
0xbc: {  	s0 =	sadd.s32 $0x8F2B, s0  }
0xbd: {  	[sflag:s0] =	ssyncadd.remote.s32 $0x1  }
0xbe: {  	_ =	sfence.sel $0xFFFF  }
0xbf: {  	[dreg:$0x0] =	wrdreg $0xFFFFFFFF;
	(pc) =	sbr.abs _section_cstart, $3  }
0xc0: {  	[dreg:$0x1] =	wrdreg $0xFFFFFFFF  }
0xc1: {  	_ =	task.clear_ibuf [dreg:s7], $0x2FFFF;
	_ =	strace $0x9FFFFFFF  }
0xc2: {  	(tm) =	ssettm $0x7FFFFFFF  }
0xc3: {  	_ =	shalt  }
tec
execute0_lowered:
.L_overlay_start_1:
0x0: {  	(tag) =	ssettag $0x1  }
0x1: {  	s0 =	srdreg.scid;
	s7 =	rddreg [dreg:$0x0]  }
0x2: {  	s4 =	stileid.u32;
	s3 =	simm.s32 $0x1;
	s8 =	rddreg [dreg:$0x1]  }
0x3: {  	s2 =	simm.s32 $0x0;
	s10 =	simm.s32 $0x2;
	s11 =	simm.s32 $0x80  }
0x4: {  	s22 =	simm.s32 $0x5880;
	s23 =	simm.s32 $0x6080;
	s24 =	simm.s32 $0x6880  }
0x5: {  	s25 =	simm.s32 $0x7080;
	s26 =	simm.s32 $0x7880;
	s28 =	simm.s32 $0x8080  }
0x6: {  	s29 =	simm.s32 $0x8880;
	s0 =	sand.u32 $0x1, s0;
	s1 =	sshll.u32 s4, $0x1  }
0x7: {  	s30 =	simm.s32 $0x9080;
	s31 =	simm.s32 $0x9880;
	s1 =	sor.u32 s0, s1  }
0x8: {  	s12 =	simm.s32 $0xB080;
	p1 =	seq.s32 s0, $0x1;
	p0 =	seq.s32 s1, $0x0  }
0x9: {  	s13 =	simm.s32 $0xB880;
	s14 =	simm.s32 $0x300;
	p0 =	por !p0, !p1  }
0xa: {  	s15 =	simm.s32 $0x0;
	[smem:$0x7FF] =	sst s2;
	p0 =	por !p0, !p0  }
0xb: {  	s5 =	sshll.u32 s0, $0x6;
	s0 =	ssub.s32 $0x2, s0;
	s3 =	simm.s32 @!p0 $0x0  }
0xc: {  	s6 =	sshrl.u32 s0, $0x1;
	s1 =	smul.u32 $0x1800, s1;
	s3 =	ssub.s32 s4, s3  }
0xd: {  	_ =	strace $0x8000004A;
	s0 =	ssub.s32 s0, s6;
	s4 =	sshll.u32 s3, $0x7  }
0xe: {  	s6 =	sadd.s32 $0x1700, s7;
	s8 =	sadd.s32 s8, s1;
	s5 =	sor.u32 s5, s4  }
0xf: {  	v2 =	vlaneseq.u32;
	s9 =	smax.u32 s0, $0x1;
	s1 =	simm.s32 $0xA080;
	s5 =	sshrl.u32 s5, $0x3  }
0x10: {  	vm0 =	vmmov $0xffff;
	v1 =	vshrl.u32 v2, $0x3;
	s0 =	simm.s32 $0xA880;
	s3 =	sadd.s32 $0x1600, s7;
	s5 =	sadd.s32 s5, s7  }
0x11: {  	v0 =	vand.u32 $0x7, v2;
	v2 =	vor.u32 $0x8, v2;
	v1 =	vmul.u32 $0x8, v1;
	s4 =	simm.s32 $0x1;
	s7 =	sadd.s32 $0x1800, s7;
	s5 =	sadd.s32 $0x1400, s5  }
.LBB2_1:
0x12: {  	[tilespmem:s2], [sflag:$0x2] =	stream.linear.gather [hbm4b:s5+s2], $0x40, $0x38;
	[tilespmem:$0xC080] =	vst v63  }
0x13: {  	_ =	swait.ge [sflag:s10], $0x40  }
0x14: {  	[sflag:s10] =	ssyncset.done $0x0  }
0x15: {  	[sflag:s10] =	ssyncadd.s32 $0xFFFFFFC0  }
0x16: {  	v3 =	vld [tilespmem:$0x0];
	_ =	sdelay $0x4  }
0x17: {  	v4 =	vshrl.u32 v3, $0x3  }
0x18: {  	v4 =	vmul.u32 $0x30, v4  }
0x19: {  	v3 =	vand.u32 $0x7, v3  }
0x1a: {  	v3 =	vor.u32 v3, v4  }
0x1b: {  	v4 =	vperm.xlane v3, v0;
	_ =	sdelay $0x1  }
0x1c: {  	v4 =	vadd.s32 v1, v4;
	_ =	sdelay $0x3  }
0x1d: {  	v3 =	vperm.xlane v3, v2  }
0x1e: {  	[tilespmem:s11], [sflag:$0x1] =	stream.indirect_vreg.gather [hbm4b:s3+s2], $0x80, v4, vm0, $0xb8;
	[tilespmem:$0xC080] =	vst v63  }
0x1f: {  	s16 =	simm.s32 $0x880;
	v3 =	vadd.s32 v1, v3  }
0x20: {  	[tilespmem:s16], [sflag:$0x1] =	stream.indirect_vreg.gather [hbm4b:s6+s2], $0x80, v4, vm0, $0xb8;
	[tilespmem:$0xC080] =	vst v63  }
0x21: {  	s19 =	simm.s32 $0x1080  }
0x22: {  	[tilespmem:s19], [sflag:$0x1] =	stream.indirect_vreg.gather [hbm4b:s7+s2], $0x80, v4, vm0, $0xb8;
	[tilespmem:$0xC080] =	vst v63  }
0x23: {  	s20 =	simm.s32 $0x1880  }
0x24: {  	[tilespmem:s20], [sflag:$0x1] =	stream.indirect_vreg.gather [hbm4b:s3+s2], $0x80, v3, vm0, $0xb8;
	[tilespmem:$0xC080] =	vst v63  }
0x25: {  	s21 =	simm.s32 $0x2080  }
0x26: {  	[tilespmem:s21], [sflag:$0x1] =	stream.indirect_vreg.gather [hbm4b:s6+s2], $0x80, v3, vm0, $0xb8;
	[tilespmem:$0xC080] =	vst v63  }
0x27: {  	s17 =	simm.s32 $0x2880  }
0x28: {  	[tilespmem:s17], [sflag:$0x1] =	stream.indirect_vreg.gather [hbm4b:s7+s2], $0x80, v3, vm0, $0xb8;
	[tilespmem:$0xC080] =	vst v63  }
0x29: {  	v3 =	vld [tilespmem:$0x10];
	_ =	sdelay $0x4  }
0x2a: {  	v61 =	vshrl.u32 v3, $0x3  }
0x2b: {  	v4 =	vmul.u32 $0x30, v61  }
0x2c: {  	v3 =	vand.u32 $0x7, v3  }
0x2d: {  	v3 =	vor.u32 v3, v4  }
0x2e: {  	v4 =	vperm.xlane v3, v0;
	_ =	sdelay $0x1  }
0x2f: {  	v4 =	vadd.s32 v1, v4;
	_ =	sdelay $0x3  }
0x30: {  	s18 =	simm.s32 $0x3080;
	v3 =	vperm.xlane v3, v2  }
0x31: {  	[tilespmem:s18], [sflag:$0x1] =	stream.indirect_vreg.gather [hbm4b:s3+s2], $0x80, v4, vm0, $0xb8;
	[tilespmem:$0xC080] =	vst v63  }
0x32: {  	s19 =	simm.s32 $0x3880;
	v3 =	vadd.s32 v1, v3  }
0x33: {  	[tilespmem:s19], [sflag:$0x1] =	stream.indirect_vreg.gather [hbm4b:s6+s2], $0x80, v4, vm0, $0xb8;
	[tilespmem:$0xC080] =	vst v63  }
0x34: {  	s20 =	simm.s32 $0x4080  }
0x35: {  	[tilespmem:s20], [sflag:$0x1] =	stream.indirect_vreg.gather [hbm4b:s7+s2], $0x80, v4, vm0, $0xb8;
	[tilespmem:$0xC080] =	vst v63  }
0x36: {  	s21 =	simm.s32 $0x4880  }
0x37: {  	[tilespmem:s21], [sflag:$0x1] =	stream.indirect_vreg.gather [hbm4b:s3+s2], $0x80, v3, vm0, $0xb8;
	[tilespmem:$0xC080] =	vst v63  }
0x38: {  	s17 =	simm.s32 $0x5080  }
0x39: {  	[tilespmem:s17], [sflag:$0x1] =	stream.indirect_vreg.gather [hbm4b:s6+s2], $0x80, v3, vm0, $0xb8;
	[tilespmem:$0xC080] =	vst v63  }
0x3a: {  	_ = 	snop  }
0x3b: {  	[tilespmem:s22], [sflag:$0x1] =	stream.indirect_vreg.gather [hbm4b:s7+s2], $0x80, v3, vm0, $0xb8;
	[tilespmem:$0xC080] =	vst v63  }
0x3c: {  	v3 =	vld [tilespmem:$0x20];
	_ =	sdelay $0x4  }
0x3d: {  	v62 =	vshrl.u32 v3, $0x3  }
0x3e: {  	v4 =	vmul.u32 $0x30, v62  }
0x3f: {  	v3 =	vand.u32 $0x7, v3  }
0x40: {  	v3 =	vor.u32 v3, v4  }
0x41: {  	v4 =	vperm.xlane v3, v0;
	_ =	sdelay $0x1  }
0x42: {  	v4 =	vadd.s32 v1, v4;
	_ =	sdelay $0x3  }
0x43: {  	v3 =	vperm.xlane v3, v2  }
0x44: {  	[tilespmem:s23], [sflag:$0x1] =	stream.indirect_vreg.gather [hbm4b:s3+s2], $0x80, v4, vm0, $0xb8;
	[tilespmem:$0xC080] =	vst v63  }
0x45: {  	v3 =	vadd.s32 v1, v3  }
0x46: {  	[tilespmem:s24], [sflag:$0x1] =	stream.indirect_vreg.gather [hbm4b:s6+s2], $0x80, v4, vm0, $0xb8;
	[tilespmem:$0xC080] =	vst v63  }
0x47: {  	_ = 	snop  }
0x48: {  	[tilespmem:s25], [sflag:$0x1] =	stream.indirect_vreg.gather [hbm4b:s7+s2], $0x80, v4, vm0, $0xb8;
	[tilespmem:$0xC080] =	vst v63  }
0x49: {  	_ = 	snop  }
0x4a: {  	[tilespmem:s26], [sflag:$0x1] =	stream.indirect_vreg.gather [hbm4b:s3+s2], $0x80, v3, vm0, $0xb8;
	[tilespmem:$0xC080] =	vst v63  }
0x4b: {  	_ = 	snop  }
0x4c: {  	[tilespmem:s28], [sflag:$0x1] =	stream.indirect_vreg.gather [hbm4b:s6+s2], $0x80, v3, vm0, $0xb8;
	[tilespmem:$0xC080] =	vst v63  }
0x4d: {  	_ = 	snop  }
0x4e: {  	[tilespmem:s29], [sflag:$0x1] =	stream.indirect_vreg.gather [hbm4b:s7+s2], $0x80, v3, vm0, $0xb8;
	[tilespmem:$0xC080] =	vst v63  }
0x4f: {  	v3 =	vld [tilespmem:$0x30];
	_ =	sdelay $0x4  }
0x50: {  	v63 =	vshrl.u32 v3, $0x3  }
0x51: {  	v4 =	vmul.u32 $0x30, v63  }
0x52: {  	v3 =	vand.u32 $0x7, v3  }
0x53: {  	v3 =	vor.u32 v3, v4  }
0x54: {  	v4 =	vperm.xlane v3, v0;
	_ =	sdelay $0x1  }
0x55: {  	v4 =	vadd.s32 v1, v4;
	_ =	sdelay $0x3  }
0x56: {  	v3 =	vperm.xlane v3, v2  }
0x57: {  	[tilespmem:s30], [sflag:$0x1] =	stream.indirect_vreg.gather [hbm4b:s3+s2], $0x80, v4, vm0, $0xb8;
	[tilespmem:$0xC080] =	vst v63  }
0x58: {  	v3 =	vadd.s32 v1, v3  }
0x59: {  	[tilespmem:s31], [sflag:$0x1] =	stream.indirect_vreg.gather [hbm4b:s6+s2], $0x80, v4, vm0, $0xb8;
	[tilespmem:$0xC080] =	vst v63  }
0x5a: {  	_ = 	snop  }
0x5b: {  	[tilespmem:s1], [sflag:$0x1] =	stream.indirect_vreg.gather [hbm4b:s7+s2], $0x80, v4, vm0, $0xb8;
	[tilespmem:$0xC080] =	vst v63  }
0x5c: {  	_ = 	snop  }
0x5d: {  	[tilespmem:s0], [sflag:$0x1] =	stream.indirect_vreg.gather [hbm4b:s3+s2], $0x80, v3, vm0, $0xb8;
	[tilespmem:$0xC080] =	vst v63  }
0x5e: {  	_ = 	snop  }
0x5f: {  	[tilespmem:s12], [sflag:$0x1] =	stream.indirect_vreg.gather [hbm4b:s6+s2], $0x80, v3, vm0, $0xb8;
	[tilespmem:$0xC080] =	vst v63  }
0x60: {  	_ = 	snop  }
0x61: {  	[tilespmem:s13], [sflag:$0x1] =	stream.indirect_vreg.gather [hbm4b:s7+s2], $0x80, v3, vm0, $0xb8;
	[tilespmem:$0xC080] =	vst v63  }
0x62: {  	_ =	swait.ge [sflag:s4], $0xC000  }
0x63: {  	[sflag:s4] =	ssyncset.done $0x0  }
0x64: {  	s18 =	simm.s32 $0x80;
	[sflag:s4] =	ssyncadd.s32 $0xFFFF4000  }
0x65: {  	[hbm4b:s8+s11] =	stream.strided.scatter [tilespmem:s18], [sflag:$0x2], $0x400, s14, s11, $0x38;
	[tilespmem:$0xC080] =	vst v63  }
0x66: {  	s19 =	simm.s32 $0x480;
	s17 =	sadd.s32 $0x10, s8  }
0x67: {  	[hbm4b:s17+s11] =	stream.strided.scatter [tilespmem:s19], [sflag:$0x2], $0x400, s14, s11, $0x38;
	[tilespmem:$0xC080] =	vst v63  }
0x68: {  	s20 =	simm.s32 $0x880;
	s21 =	sadd.s32 $0x20, s8  }
0x69: {  	[hbm4b:s21+s11] =	stream.strided.scatter [tilespmem:s20], [sflag:$0x2], $0x400, s14, s11, $0x38;
	[tilespmem:$0xC080] =	vst v63  }
0x6a: {  	s16 =	simm.s32 $0x1800;
	s18 =	simm.s32 $0xC80;
	s19 =	sadd.s32 $0x30, s8  }
0x6b: {  	[hbm4b:s19+s11] =	stream.strided.scatter [tilespmem:s18], [sflag:$0x2], $0x400, s14, s11, $0x38;
	[tilespmem:$0xC080] =	vst v63  }
0x6c: {  	s17 =	sadd.s32 $0x300, s8;
	s20 =	simm.s32 $0x1080;
	s21 =	sadd.s32 $0x40, s8  }
0x6d: {  	[hbm4b:s21+s11] =	stream.strided.scatter [tilespmem:s20], [sflag:$0x2], $0x400, s14, s11, $0x38;
	[tilespmem:$0xC080] =	vst v63  }
0x6e: {  	s18 =	simm.s32 $0xC000;
	s19 =	simm.s32 $0x1480;
	s20 =	sadd.s32 $0x50, s8  }
.LBB2_2:
0x6f: {  	[hbm4b:s20+s11] =	stream.strided.scatter [tilespmem:s19], [sflag:$0x2], $0x400, s14, s11, $0x38;
	[tilespmem:$0xC080] =	vst v63  }
0x70: {  	s19 =	smov.u32 s16;
	s16 =	smov.u32 s18  }
0x71: {  	s21 =	sadd.s32 $0x6000, s18;
	s16 =	sshra.s32 s16, $0x2;
	s20 =	sadd.s32 $0x80, s19  }
0x72: {  	[hbm4b:s17+s11] =	stream.strided.scatter [tilespmem:s20], [sflag:$0x2], $0x400, s14, s11, $0x38;
	[tilespmem:$0xC080] =	vst v63  }
0x73: {  	p0 =	sne.s32 s18, $0x2A000;
	s18 =	sadd.s32 $0x480, s19;
	s20 =	sadd.s32 $0x10, s17  }
0x74: {  	[hbm4b:s20+s11] =	stream.strided.scatter [tilespmem:s18], [sflag:$0x2], $0x400, s14, s11, $0x38;
	[tilespmem:$0xC080] =	vst v63  }
0x75: {  	s18 =	sadd.s32 $0x880, s19;
	s20 =	sadd.s32 $0x20, s17  }
0x76: {  	[hbm4b:s20+s11] =	stream.strided.scatter [tilespmem:s18], [sflag:$0x2], $0x400, s14, s11, $0x38;
	[tilespmem:$0xC080] =	vst v63  }
.Ltmp0:
0x77: {  	s18 =	sadd.s32 $0xC80, s19;
	s20 =	sadd.s32 $0x30, s17;
	(pc) =	sbr.rel @p0 .LBB2_2-.Ltmp0, $4  }
0x78: {  	[hbm4b:s20+s11] =	stream.strided.scatter [tilespmem:s18], [sflag:$0x2], $0x400, s14, s11, $0x38;
	[tilespmem:$0xC080] =	vst v63  }
0x79: {  	s18 =	sadd.s32 $0x1080, s19;
	s20 =	sadd.s32 $0x40, s17;
	s19 =	sadd.s32 $0x1480, s19  }
0x7a: {  	[hbm4b:s20+s11] =	stream.strided.scatter [tilespmem:s18], [sflag:$0x2], $0x400, s14, s11, $0x38;
	[tilespmem:$0xC080] =	vst v63  }
0x7b: {  	s20 =	sadd.s32 $0x50, s17;
	s17 =	sadd.s32 $0x300, s17;
	s18 =	smov.u32 s21  }
0x7c: {  	[hbm4b:s20+s11] =	stream.strided.scatter [tilespmem:s19], [sflag:$0x2], $0x400, s14, s11, $0x38;
	[tilespmem:$0xC080] =	vst v63  }
0x7d: {  	s18 =	sadd.s32 $0x80, s16  }
0x7e: {  	[hbm4b:s17+s11] =	stream.strided.scatter [tilespmem:s18], [sflag:$0x2], $0x400, s14, s11, $0x38;
	[tilespmem:$0xC080] =	vst v63  }
0x7f: {  	s20 =	sadd.s32 $0x480, s16;
	s21 =	sadd.s32 $0x10, s17  }
0x80: {  	[hbm4b:s21+s11] =	stream.strided.scatter [tilespmem:s20], [sflag:$0x2], $0x400, s14, s11, $0x38;
	[tilespmem:$0xC080] =	vst v63  }
0x81: {  	s20 =	sadd.s32 $0x880, s16;
	s21 =	sadd.s32 $0x20, s17  }
0x82: {  	[hbm4b:s21+s11] =	stream.strided.scatter [tilespmem:s20], [sflag:$0x2], $0x400, s14, s11, $0x38;
	[tilespmem:$0xC080] =	vst v63  }
0x83: {  	s15 =	sadd.s32 $0x1, s15;
	s20 =	sadd.s32 $0xC80, s16;
	s21 =	sadd.s32 $0x30, s17  }
0x84: {  	[hbm4b:s21+s11] =	stream.strided.scatter [tilespmem:s20], [sflag:$0x2], $0x400, s14, s11, $0x38;
	[tilespmem:$0xC080] =	vst v63  }
0x85: {  	p0 =	sne.s32 s15, s9;
	s20 =	sadd.s32 $0x1080, s16;
	s21 =	sadd.s32 $0x40, s17  }
0x86: {  	[hbm4b:s21+s11] =	stream.strided.scatter [tilespmem:s20], [sflag:$0x2], $0x400, s14, s11, $0x38;
	[tilespmem:$0xC080] =	vst v63  }
.Ltmp1:
0x87: {  	s20 =	sadd.s32 $0x1480, s16;
	s21 =	sadd.s32 $0x50, s17;
	(pc) =	sbr.rel @p0 .LBB2_1-.Ltmp1, $4  }
0x88: {  	[hbm4b:s21+s11] =	stream.strided.scatter [tilespmem:s20], [sflag:$0x2], $0x400, s14, s11, $0x38;
	[tilespmem:$0xC080] =	vst v63  }
0x89: {  	_ =	swait.ge [sflag:s10], $0xC000  }
0x8a: {  	[sflag:s10] =	ssyncset.done $0x0  }
0x8b: {  	[sflag:s10] =	ssyncadd.s32 $0xFFFF4000  }
0x8c: {  	_ =	sfence.sel $0x180000  }
0x8d: {  	[bflag:$0x0] =	sbarrier.arrive $0xFFFF  }
0x8e: {  	_ =	strace $0x9000004A  }
0x8f: {  	s0 =	stileid.u32;
	[bflag:$0x2] =	sbarrier.arrive $0xFFFF  }
0x90: {  	p0 =	sne.s32 s0, $0x0;
	s0 =	rddreg [dreg:$0x2]  }
0x91: {  	s0 =	sadd.s32 @!p0 $0x100000, s0  }
0x92: {  	[sflag:s0] =	ssyncadd.tile.s32 @!p0 $0x1;
	_ =	shalt  }
.Lfunc_end2:
_tile_overlayer_lowered:
.L_overlay_start_2:
0x93: {  	(tag) =	ssettag $0x2  }
0x94: {  	s0 =	rddreg [dreg:$0x0];
	s2 =	stileid.u32  }
0x95: {  	s1 =	rddreg [dreg:$0x1];
	p0 =	sne.s32 s2, $0x0  }
0x96: {  	s3 =	rddreg [dreg:$0x2];
	[bflag:$0x3] =	sbarrier.arrive $0xFFFF;
	s2 =	simm.s32 @!p0 $0x1C02  }
0x97: {  	[timem:s3], [sflag:s2] =	dma.local @!p0 [hbm:s0], s1  }
0x98: {  	s0 =	simm.s32 @!p0 $0x2  }
0x99: {  	_ =	swait.ge @!p0 [sflag:s0], s1  }
0x9a: {  	s1 =	ssub.s32 @!p0 $0x0, s1;
	[sflag:s0] =	ssyncset.done @!p0 $0x0  }
0x9b: {  	[sflag:s0] =	ssyncadd.s32 @!p0 s1  }
0x9c: {  	[bflag:$0x3] =	sbarrier.arrive $0xFFFF  }
0x9d: {  	_ =	shalt  }

</sc_bundles>
